<compile_context>
chip_gen: v7x
topology: tpu7x:2x2x1
jax: 0.10.2.dev20260603
libtpu: 0.0.44.dev20260713+nightly
codegen_flags: <defaults>
</compile_context>

<pallas_src>
import functools

import jax
import jax.numpy as jnp
from jax import lax
from jax.experimental import pallas as pl
from jax.experimental.pallas import tpu as pltpu
from jax.experimental.pallas import tpu_sc as plsc

NUM_E = 100000
D = 300
DP = 384
BATCH = 4096
HIST = 50
NC, NS = 2, 16
NW = NC * NS
HP = 56
BP = BATCH * HP
CHUNK = 128
NBUF = 2
CPW = BP // NW // CHUNK

_mesh = plsc.VectorSubcoreMesh(core_axis_name="c", subcore_axis_name="s")


@functools.partial(
    pl.kernel,
    mesh=_mesh,
    out_type=jax.ShapeDtypeStruct((BP, DP), jnp.float32),
    scratch_types=[
        pltpu.VMEM((CPW, CHUNK), jnp.int32),
    ]
    + [pltpu.VMEM((CHUNK, DP), jnp.float32) for _ in range(NBUF)]
    + [pltpu.SemaphoreType.DMA for _ in range(2 * NBUF)],
    compiler_params=pltpu.CompilerParams(use_tc_tiling_on_sc=True),
)
def _gather(x_hbm, w_hbm, out_hbm, idx_v, *bufs_and_sems):
    rows = bufs_and_sems[:NBUF]
    sg = bufs_and_sems[NBUF : 2 * NBUF]
    sw = bufs_and_sems[2 * NBUF :]
    wid = lax.axis_index("s") * NC + lax.axis_index("c")
    pltpu.sync_copy(x_hbm.at[wid], idx_v)
    base = wid * (CPW * CHUNK)

    def body(i, carry):
        for b in range(NBUF):
            j = i * NBUF + b

            @pl.when(i > 0)
            def _():
                pltpu.make_async_copy(
                    rows[b], out_hbm.at[pl.ds(base, CHUNK)], sw[b]
                ).wait()

            pltpu.async_copy(w_hbm.at[idx_v.at[j]], rows[b], sg[b]).wait()
            pltpu.async_copy(
                rows[b], out_hbm.at[pl.ds(base + j * CHUNK, CHUNK)], sw[b]
            )
        return carry

    lax.fori_loop(0, CPW // NBUF, body, 0)
    for b in range(NBUF):
        pltpu.make_async_copy(
            rows[b], out_hbm.at[pl.ds(base, CHUNK)], sw[b]
        ).wait()


_TR_BLOCK = 2048


def _transpose_block(wt_ref, wp_ref):
    wp_ref[...] = jnp.transpose(wt_ref[...], (1, 0))


_transpose = pl.pallas_call(
    _transpose_block,
    grid=(pl.cdiv(NUM_E, _TR_BLOCK),),
    in_specs=[pl.BlockSpec((DP, _TR_BLOCK), lambda i: (0, i))],
    out_specs=pl.BlockSpec((_TR_BLOCK, DP), lambda i: (i, 0)),
    out_shape=jax.ShapeDtypeStruct((NUM_E, DP), jnp.float32),
)


def kernel(x, weight):
    x = x.astype(jnp.int32)
    xp = jnp.pad(x, ((0, 0), (0, HP - HIST)), mode="edge")
    xr = xp.reshape(NW, CPW, CHUNK)
    wp = _transpose(lax.transpose(weight, (1, 0)))
    out = _gather(xr, wp)
    return out.reshape(BATCH, HP, DP)[:, :HIST, :D]

# --- scband reference (transcript-rebuilt; emitter-appended) ---
"""Pipeline reference for scband-embedding-seq-58944131170569 (READ-ONLY COPY).

The authoritative reference and input builder live on the scoring server;
editing this copy changes nothing except your own understanding.
"""

import jax, jax.numpy as jnp
import numpy as np

NUM_EMBEDDINGS = 100000
EMBEDDING_DIM = 300
BATCH = 4096
HIST_LEN = 50


def setup_inputs(seed: int = 0) -> dict:
    key = jax.random.key(seed)
    k_idx, k_w = jax.random.split(key)
    x = jax.random.randint(k_idx, (BATCH, HIST_LEN), 0, NUM_EMBEDDINGS, dtype=jnp.int64 if jax.config.jax_enable_x64 else jnp.int32)
    weight = jax.random.normal(k_w, (NUM_EMBEDDINGS, EMBEDDING_DIM), dtype=jnp.float32)
    return {"x": x, "weight": weight}


def reference(x, weight):
    # EmbeddingSeq.forward: self.embedding(x.long())
    idx = x.astype(jnp.int32)
    return jnp.take(weight, idx, axis=0)

if __name__ == "__main__":
    import jax
    _d = setup_inputs()
    print(jax.jit(kernel)(*tuple(_d.values())))

</pallas_src>

<mosaic_0001>
#map = affine_map<(d0, d1) -> (0, 0, 0)>
#map1 = affine_map<(d0, d1) -> (0, 0)>
module attributes {stable_mosaic.version = 14 : i64} {
  func.func @_gather(%arg0: i32, %arg1: i32, %arg2: memref<32x56x128xi32, #tpu.memory_space<hbm>>, %arg3: memref<100000x384xf32, #tpu.memory_space<hbm>>, %arg4: memref<229376x384xf32, #tpu.memory_space<hbm>>, %arg5: memref<56x128xi32, #tpu.memory_space<vmem>>, %arg6: memref<128x384xf32, #tpu.memory_space<vmem>>, %arg7: memref<128x384xf32, #tpu.memory_space<vmem>>, %arg8: memref<!tpu.dma_semaphore, #tpu.memory_space<semaphore_mem>>, %arg9: memref<!tpu.dma_semaphore, #tpu.memory_space<semaphore_mem>>, %arg10: memref<!tpu.dma_semaphore, #tpu.memory_space<semaphore_mem>>, %arg11: memref<!tpu.dma_semaphore, #tpu.memory_space<semaphore_mem>>) attributes {dimension_semantics = [#tpu.dimension_semantics<core_parallel>, #tpu.dimension_semantics<subcore_parallel>], iteration_bounds = array<i64: 2, 16>, scalar_prefetch = 0 : i64, scratch_operands = 7 : i64, tpu.core_type = #tpu.core_type<sc_vector_subcore>, window_params = [{transform_indices = #map}, {transform_indices = #map1}, {transform_indices = #map1}]} {
    %mul3A = arith.constant 2 : i32
    %mul3A_0 = arith.muli %arg1, %mul3A : i32
    %add3A = arith.addi %mul3A_0, %arg0 : i32
    "tpu.region"() ({
      %run_scoped3A = tpu.sem_alloc : memref<!tpu.dma_semaphore, #tpu.memory_space<semaphore_mem>>
      %dma_start3A = arith.constant 0 : i32
      %dma_start3A_15 = arith.constant 0 : i32
      %dma_start3A_16 = tpu.memref_slice %arg2[%add3A, %dma_start3A, %dma_start3A_15] : memref<32x56x128xi32, #tpu.memory_space<hbm>> -> memref<1x56x128xi32, #tpu.memory_space<hbm>>
      %dma_start3A_17 = tpu.memref_squeeze %dma_start3A_16 : memref<1x56x128xi32, #tpu.memory_space<hbm>> -> memref<56x128xi32, #tpu.memory_space<hbm>>
      %dma_start3A_18 = arith.constant 0 : i32
      %dma_start3A_19 = arith.constant 0 : i32
      %dma_start3A_20 = tpu.memref_slice %arg2[%add3A, %dma_start3A_18, %dma_start3A_19] : memref<32x56x128xi32, #tpu.memory_space<hbm>> -> memref<1x56x128xi32, #tpu.memory_space<hbm>>
      %dma_start3A_21 = tpu.memref_squeeze %dma_start3A_20 : memref<1x56x128xi32, #tpu.memory_space<hbm>> -> memref<56x128xi32, #tpu.memory_space<hbm>>
      tpu.enqueue_dma source(%dma_start3A_21 : memref<56x128xi32, #tpu.memory_space<hbm>>) target(%arg5 : memref<56x128xi32, #tpu.memory_space<vmem>>) target_semaphore(%run_scoped3A : memref<!tpu.dma_semaphore, #tpu.memory_space<semaphore_mem>>)
      %dma_wait3A_22 = arith.constant 0 : i32
      %dma_wait3A_23 = arith.constant 0 : i32
      %dma_wait3A_24 = tpu.memref_slice %arg2[%add3A, %dma_wait3A_22, %dma_wait3A_23] : memref<32x56x128xi32, #tpu.memory_space<hbm>> -> memref<1x56x128xi32, #tpu.memory_space<hbm>>
      %dma_wait3A_25 = tpu.memref_squeeze %dma_wait3A_24 : memref<1x56x128xi32, #tpu.memory_space<hbm>> -> memref<56x128xi32, #tpu.memory_space<hbm>>
      %dma_wait3A_26 = arith.constant 0 : i32
      %dma_wait3A_27 = arith.constant 0 : i32
      %dma_wait3A_28 = tpu.memref_slice %arg2[%add3A, %dma_wait3A_26, %dma_wait3A_27] : memref<32x56x128xi32, #tpu.memory_space<hbm>> -> memref<1x56x128xi32, #tpu.memory_space<hbm>>
      %dma_wait3A_29 = tpu.memref_squeeze %dma_wait3A_28 : memref<1x56x128xi32, #tpu.memory_space<hbm>> -> memref<56x128xi32, #tpu.memory_space<hbm>>
      tpu.wait_dma2 semaphore(%run_scoped3A : memref<!tpu.dma_semaphore, #tpu.memory_space<semaphore_mem>>) src(%dma_wait3A_29 : memref<56x128xi32, #tpu.memory_space<hbm>>) dst(%arg5 : memref<56x128xi32, #tpu.memory_space<vmem>>)
      tpu.yield
    }) : () -> ()
    %mul3A_1 = arith.constant 7168 : i32
    %mul3A_2 = arith.muli %add3A, %mul3A_1 : i32
    %scan3A = arith.constant 0 : i32
    %scan3A_3 = arith.constant 0 : i32
    %scan3A_4 = arith.constant 28 : i32
    %scan3A_5 = arith.addi %scan3A_3, %scan3A_4 : i32
    %scan3A_6 = arith.constant 1 : i32
    scf.for %scan3A_15 = %scan3A_3 to %scan3A_5 step %scan3A_6  : i32 {
      %mul3A_16 = arith.constant 2 : i32
      %mul3A_17 = arith.muli %scan3A_15, %mul3A_16 : i32
      %add3A_18 = arith.constant 0 : i32
      %add3A_19 = arith.addi %mul3A_17, %add3A_18 : i32
      %gt3A = arith.constant 0 : i32
      %gt3A_20 = arith.cmpi sgt, %scan3A_15, %gt3A : i32
      %convert_element_type3A = arith.extui %gt3A_20 : i1 to i32
      %cond3A = arith.constant 0 : i32
      %cond3A_21 = arith.cmpi ne, %convert_element_type3A, %cond3A : i32
      scf.if %cond3A_21 {
        %dma_wait3A_68 = arith.constant 0 : i32
        %dma_wait3A_69 = tpu.memref_slice %arg4[%mul3A_2, %dma_wait3A_68] : memref<229376x384xf32, #tpu.memory_space<hbm>> -> memref<128x384xf32, #tpu.memory_space<hbm>>
        %dma_wait3A_70 = arith.constant 0 : i32
        %dma_wait3A_71 = tpu.memref_slice %arg4[%mul3A_2, %dma_wait3A_70] : memref<229376x384xf32, #tpu.memory_space<hbm>> -> memref<128x384xf32, #tpu.memory_space<hbm>>
        tpu.wait_dma2 semaphore(%arg10 : memref<!tpu.dma_semaphore, #tpu.memory_space<semaphore_mem>>) src(%arg6 : memref<128x384xf32, #tpu.memory_space<vmem>>) dst(%dma_wait3A_71 : memref<128x384xf32, #tpu.memory_space<hbm>>)
      } else {
      }
      %dma_start3A = arith.constant 0 : i32
      %dma_start3A_22 = tpu.memref_slice %arg5[%add3A_19, %dma_start3A] : memref<56x128xi32, #tpu.memory_space<vmem>> -> memref<1x128xi32, #tpu.memory_space<vmem>>
      %dma_start3A_23 = tpu.memref_squeeze %dma_start3A_22 : memref<1x128xi32, #tpu.memory_space<vmem>> -> memref<128xi32, #tpu.memory_space<vmem>>
      %dma_start3A_24 = arith.constant 0 : i32
      %dma_start3A_25 = arith.constant 0 : i32
      %dma_start3A_26 = tpu.memref_slice %arg3[%dma_start3A_24, %dma_start3A_25] : memref<100000x384xf32, #tpu.memory_space<hbm>> -> memref<100000x384xf32, #tpu.memory_space<hbm>>
      tpu.enqueue_indirect_dma source(%dma_start3A_26 : memref<100000x384xf32, #tpu.memory_space<hbm>>) target(%arg6 : memref<128x384xf32, #tpu.memory_space<vmem>>) offsets(%dma_start3A_23 : memref<128xi32, #tpu.memory_space<vmem>>) semaphore(%arg8 : memref<!tpu.dma_semaphore, #tpu.memory_space<semaphore_mem>>)
      %dma_wait3A_27 = arith.constant 0 : i32
      %dma_wait3A_28 = tpu.memref_slice %arg5[%add3A_19, %dma_wait3A_27] : memref<56x128xi32, #tpu.memory_space<vmem>> -> memref<1x128xi32, #tpu.memory_space<vmem>>
      %dma_wait3A_29 = tpu.memref_squeeze %dma_wait3A_28 : memref<1x128xi32, #tpu.memory_space<vmem>> -> memref<128xi32, #tpu.memory_space<vmem>>
      %dma_wait3A_30 = arith.constant 0 : i32
      %dma_wait3A_31 = arith.constant 0 : i32
      %dma_wait3A_32 = tpu.memref_slice %arg3[%dma_wait3A_30, %dma_wait3A_31] : memref<100000x384xf32, #tpu.memory_space<hbm>> -> memref<100000x384xf32, #tpu.memory_space<hbm>>
      tpu.wait_indirect_dma semaphore(%arg8 : memref<!tpu.dma_semaphore, #tpu.memory_space<semaphore_mem>>) src(%dma_wait3A_32 : memref<100000x384xf32, #tpu.memory_space<hbm>>) dst(%arg6 : memref<128x384xf32, #tpu.memory_space<vmem>>)
      %mul3A_33 = arith.constant 128 : i32
      %mul3A_34 = arith.muli %add3A_19, %mul3A_33 : i32
      %add3A_35 = arith.addi %mul3A_2, %mul3A_34 : i32
      %dma_start3A_36 = arith.constant 0 : i32
      %dma_start3A_37 = tpu.memref_slice %arg4[%add3A_35, %dma_start3A_36] : memref<229376x384xf32, #tpu.memory_space<hbm>> -> memref<128x384xf32, #tpu.memory_space<hbm>>
      %dma_start3A_38 = arith.constant 0 : i32
      %dma_start3A_39 = tpu.memref_slice %arg4[%add3A_35, %dma_start3A_38] : memref<229376x384xf32, #tpu.memory_space<hbm>> -> memref<128x384xf32, #tpu.memory_space<hbm>>
      tpu.enqueue_dma source(%arg6 : memref<128x384xf32, #tpu.memory_space<vmem>>) target(%dma_start3A_39 : memref<128x384xf32, #tpu.memory_space<hbm>>) target_semaphore(%arg10 : memref<!tpu.dma_semaphore, #tpu.memory_space<semaphore_mem>>)
      %mul3A_40 = arith.constant 2 : i32
      %mul3A_41 = arith.muli %scan3A_15, %mul3A_40 : i32
      %add3A_42 = arith.constant 1 : i32
      %add3A_43 = arith.addi %mul3A_41, %add3A_42 : i32
      %gt3A_44 = arith.constant 0 : i32
      %gt3A_45 = arith.cmpi sgt, %scan3A_15, %gt3A_44 : i32
      %convert_element_type3A_46 = arith.extui %gt3A_45 : i1 to i32
      %cond3A_47 = arith.constant 0 : i32
      %cond3A_48 = arith.cmpi ne, %convert_element_type3A_46, %cond3A_47 : i32
      scf.if %cond3A_48 {
        %dma_wait3A_68 = arith.constant 0 : i32
        %dma_wait3A_69 = tpu.memref_slice %arg4[%mul3A_2, %dma_wait3A_68] : memref<229376x384xf32, #tpu.memory_space<hbm>> -> memref<128x384xf32, #tpu.memory_space<hbm>>
        %dma_wait3A_70 = arith.constant 0 : i32
        %dma_wait3A_71 = tpu.memref_slice %arg4[%mul3A_2, %dma_wait3A_70] : memref<229376x384xf32, #tpu.memory_space<hbm>> -> memref<128x384xf32, #tpu.memory_space<hbm>>
        tpu.wait_dma2 semaphore(%arg11 : memref<!tpu.dma_semaphore, #tpu.memory_space<semaphore_mem>>) src(%arg7 : memref<128x384xf32, #tpu.memory_space<vmem>>) dst(%dma_wait3A_71 : memref<128x384xf32, #tpu.memory_space<hbm>>)
      } else {
      }
      %dma_start3A_49 = arith.constant 0 : i32
      %dma_start3A_50 = tpu.memref_slice %arg5[%add3A_43, %dma_start3A_49] : memref<56x128xi32, #tpu.memory_space<vmem>> -> memref<1x128xi32, #tpu.memory_space<vmem>>
      %dma_start3A_51 = tpu.memref_squeeze %dma_start3A_50 : memref<1x128xi32, #tpu.memory_space<vmem>> -> memref<128xi32, #tpu.memory_space<vmem>>
      %dma_start3A_52 = arith.constant 0 : i32
      %dma_start3A_53 = arith.constant 0 : i32
      %dma_start3A_54 = tpu.memref_slice %arg3[%dma_start3A_52, %dma_start3A_53] : memref<100000x384xf32, #tpu.memory_space<hbm>> -> memref<100000x384xf32, #tpu.memory_space<hbm>>
      tpu.enqueue_indirect_dma source(%dma_start3A_54 : memref<100000x384xf32, #tpu.memory_space<hbm>>) target(%arg7 : memref<128x384xf32, #tpu.memory_space<vmem>>) offsets(%dma_start3A_51 : memref<128xi32, #tpu.memory_space<vmem>>) semaphore(%arg9 : memref<!tpu.dma_semaphore, #tpu.memory_space<semaphore_mem>>)
      %dma_wait3A_55 = arith.constant 0 : i32
      %dma_wait3A_56 = tpu.memref_slice %arg5[%add3A_43, %dma_wait3A_55] : memref<56x128xi32, #tpu.memory_space<vmem>> -> memref<1x128xi32, #tpu.memory_space<vmem>>
      %dma_wait3A_57 = tpu.memref_squeeze %dma_wait3A_56 : memref<1x128xi32, #tpu.memory_space<vmem>> -> memref<128xi32, #tpu.memory_space<vmem>>
      %dma_wait3A_58 = arith.constant 0 : i32
      %dma_wait3A_59 = arith.constant 0 : i32
      %dma_wait3A_60 = tpu.memref_slice %arg3[%dma_wait3A_58, %dma_wait3A_59] : memref<100000x384xf32, #tpu.memory_space<hbm>> -> memref<100000x384xf32, #tpu.memory_space<hbm>>
      tpu.wait_indirect_dma semaphore(%arg9 : memref<!tpu.dma_semaphore, #tpu.memory_space<semaphore_mem>>) src(%dma_wait3A_60 : memref<100000x384xf32, #tpu.memory_space<hbm>>) dst(%arg7 : memref<128x384xf32, #tpu.memory_space<vmem>>)
      %mul3A_61 = arith.constant 128 : i32
      %mul3A_62 = arith.muli %add3A_43, %mul3A_61 : i32
      %add3A_63 = arith.addi %mul3A_2, %mul3A_62 : i32
      %dma_start3A_64 = arith.constant 0 : i32
      %dma_start3A_65 = tpu.memref_slice %arg4[%add3A_63, %dma_start3A_64] : memref<229376x384xf32, #tpu.memory_space<hbm>> -> memref<128x384xf32, #tpu.memory_space<hbm>>
      %dma_start3A_66 = arith.constant 0 : i32
      %dma_start3A_67 = tpu.memref_slice %arg4[%add3A_63, %dma_start3A_66] : memref<229376x384xf32, #tpu.memory_space<hbm>> -> memref<128x384xf32, #tpu.memory_space<hbm>>
      tpu.enqueue_dma source(%arg7 : memref<128x384xf32, #tpu.memory_space<vmem>>) target(%dma_start3A_67 : memref<128x384xf32, #tpu.memory_space<hbm>>) target_semaphore(%arg11 : memref<!tpu.dma_semaphore, #tpu.memory_space<semaphore_mem>>)
    }
    %scan3A_7 = arith.constant 28 : i32
    %dma_wait3A = arith.constant 0 : i32
    %dma_wait3A_8 = tpu.memref_slice %arg4[%mul3A_2, %dma_wait3A] : memref<229376x384xf32, #tpu.memory_space<hbm>> -> memref<128x384xf32, #tpu.memory_space<hbm>>
    %dma_wait3A_9 = arith.constant 0 : i32
    %dma_wait3A_10 = tpu.memref_slice %arg4[%mul3A_2, %dma_wait3A_9] : memref<229376x384xf32, #tpu.memory_space<hbm>> -> memref<128x384xf32, #tpu.memory_space<hbm>>
    tpu.wait_dma2 semaphore(%arg10 : memref<!tpu.dma_semaphore, #tpu.memory_space<semaphore_mem>>) src(%arg6 : memref<128x384xf32, #tpu.memory_space<vmem>>) dst(%dma_wait3A_10 : memref<128x384xf32, #tpu.memory_space<hbm>>)
    %dma_wait3A_11 = arith.constant 0 : i32
    %dma_wait3A_12 = tpu.memref_slice %arg4[%mul3A_2, %dma_wait3A_11] : memref<229376x384xf32, #tpu.memory_space<hbm>> -> memref<128x384xf32, #tpu.memory_space<hbm>>
    %dma_wait3A_13 = arith.constant 0 : i32
    %dma_wait3A_14 = tpu.memref_slice %arg4[%mul3A_2, %dma_wait3A_13] : memref<229376x384xf32, #tpu.memory_space<hbm>> -> memref<128x384xf32, #tpu.memory_space<hbm>>
    tpu.wait_dma2 semaphore(%arg11 : memref<!tpu.dma_semaphore, #tpu.memory_space<semaphore_mem>>) src(%arg7 : memref<128x384xf32, #tpu.memory_space<vmem>>) dst(%dma_wait3A_14 : memref<128x384xf32, #tpu.memory_space<hbm>>)
    return
  }
}

module attributes {stable_mosaic.version = 14 : i64} {
  func.func @_transpose_block(%arg0: i32, %arg1: memref<384x2048xf32, #tpu.memory_space<vmem>>, %arg2: memref<2048x384xf32, #tpu.memory_space<vmem>>) attributes {dimension_semantics = [#tpu.dimension_semantics<arbitrary>], iteration_bounds = array<i64: 49>, scalar_prefetch = 0 : i64, scratch_operands = 0 : i64, tpu.core_type = #tpu.core_type<tc>, window_params = [{transform_indices = @transform_0, window_bounds = array<i64: 384, 2048>}, {transform_indices = @transform_1, window_bounds = array<i64: 2048, 384>}]} {
    %get3A = arith.constant 0 : index
    %get3A_0 = arith.constant 0 : index
    %get3A_1 = vector.load %arg1[%get3A, %get3A_0] : memref<384x2048xf32, #tpu.memory_space<vmem>>, vector<384x2048xf32>
    %transpose3A = tpu.transpose %get3A_1, [1, 0] : vector<384x2048xf32> -> vector<2048x384xf32>
    %swap3A = arith.constant 0 : index
    %swap3A_2 = arith.constant 0 : index
    %swap3A_3 = vector.load %arg2[%swap3A, %swap3A_2] : memref<2048x384xf32, #tpu.memory_space<vmem>>, vector<2048x384xf32>
    tpu.vector_store %arg2[%swap3A, %swap3A_2], %transpose3A {strides = array<i32>} : memref<2048x384xf32, #tpu.memory_space<vmem>>, vector<2048x384xf32>,
    return
  }
  func.func @transform_0(%arg0: i32) -> (i32, i32) {
    %c0_i32 = arith.constant 0 : i32
    %c0_i32_0 = arith.constant 0 : i32
    return %c0_i32, %arg0 : i32, i32
  }
  func.func @transform_1(%arg0: i32) -> (i32, i32) {
    %c0_i32 = arith.constant 0 : i32
    %c0_i32_0 = arith.constant 0 : i32
    return %arg0, %c0_i32 : i32, i32
  }
}

</mosaic_0001>

<sc_bundles>
// kernel: kernel.4.cloned.1.call-start
scs
__scs_entry_jumppad:
0x0: {  	(pc) =	sbr.rel $0x88, $3  }
0x1: {  	(tag) =	ssettag $0x0;
	lr =	simm.s32 $0x1  }
0x2: {  	[smem:$0x3F9F] =	sst lr;
	_ =	strace $0xD0000000  }
0x3: {  	_ = 	snop  }
0x4: {  	_ = 	snop  }
0x5: {  	_ = 	snop  }
0x6: {  	_ = 	snop  }
0x7: {  	_ = 	snop  }
__scs_overlays_trampoline_lowered:
0x8: {  	[smem:$0x3FAE] =	sst s0  }
0x9: {  	[smem:$0x3FAF] =	sst s1  }
0xa: {  	[smem:$0x3FB0] =	sst s2  }
0xb: {  	[smem:$0x3FB1] =	sst s3  }
0xc: {  	[smem:$0x3FB2] =	sst s4  }
0xd: {  	[smem:$0x3FB3] =	sst s5  }
0xe: {  	[smem:$0x3FB4] =	sst s6  }
0xf: {  	[smem:$0x3FB5] =	sst s7  }
0x10: {  	[smem:$0x3FB6] =	sst s8  }
0x11: {  	[smem:$0x3FB7] =	sst s9;
	s0 =	simm.s32 @!p0 $0x0  }
0x12: {  	s1 =	sld [smem:$0x3F9D];
	s0 =	simm.s32 @p0 $0x1  }
0x13: {  	[smem:$0x3FB8] =	sst s0;
	s0 =	simm.s32 @!p1 $0x0  }
0x14: {  	s2 =	sld [smem:$0x3F9C];
	s0 =	simm.s32 @p1 $0x1  }
0x15: {  	[smem:$0x3FB9] =	sst s0;
	s0 =	simm.s32 @!p2 $0x0  }
0x16: {  	s3 =	sld [smem:$0x3FDB];
	s0 =	simm.s32 @p2 $0x1  }
0x17: {  	s4 =	simm.s32 $0x1BF5;
	[smem:$0x3FBB] =	sst s0  }
0x18: {  	s0 =	sld [smem:$0x3F9E];
	_ =	swait.ge [sflag:s4], $0x0  }
0x19: {  	s7 =	sld [smem:$0x3F9F]  }
0x1a: {  	s8 =	sadd.s32 $0xFFFFE003, lr  }
0x1b: {  	s9 =	sadd.s32 $0xFFFFFEF7, lr;
	s5 =	simm.s32 $0xFFFFFFFF;
	p2 =	slt.u32 s8, $0xFFFFF086  }
0x1c: {  	p1 =	slt.u32 s9, $0xF7A;
	s5 =	simm.s32 @!p2 $0x0  }
0x1d: {  	s5 =	simm.s32 @p1 $0x1;
	p0 =	seq.s32 s7, s2  }
0x1e: {  	s7 =	smul.u32 @!p0 $0xF7A, s2;
	p2 =	seq.s32 @!p0 s5, $0x0  }
0x1f: {  	s9 =	smul.u32 $0xF7A, s1;
	s8 =	simm.s32 @!p0 $0x1BF5;
	p2 =	por !p2, p0  }
0x20: {  	[sflag:s8] =	ssyncset.s32 @!p0 $0xFFFFF086;
	s6 =	sadd.s32 @!p0 s3, s7;
	s7 =	simm.s32 @!p0 $0x108  }
0x21: {  	s3 =	sadd.s32 s3, s9;
	s6 =	sadd.s32 @!p0 $0x88, s6;
	s7 =	simm.s32 @p2 $0x1082  }
0x22: {  	[simem:s7], [sflag:s8] =	dma.local @!p0 [hbm:s6], $0xF7A  }
0x23: {  	s9 =	sor.u32 $0xD0000000, s2;
	s6 =	simm.s32 $0x108;
	_ =	swait.ge @!p0 [sflag:s8], $0x0  }
0x24: {  	s3 =	sadd.s32 $0x88, s3;
	s6 =	simm.s32 @!p1 $0x1082;
	[sflag:s4] =	ssyncset.s32 $0xFFFFF086  }
0x25: {  	[simem:s6], [sflag:s4] =	dma.local [hbm:s3], $0xF7A  }
0x26: {  	[smem:$0x3F9F] =	sst s1;
	(tag) =	ssettag s2;
	_ =	strace s9  }
0x27: {  	s1 =	sld [smem:$0x3FAF]  }
0x28: {  	s2 =	sld [smem:$0x3FB0]  }
0x29: {  	s4 =	sld [smem:$0x3FB2]  }
0x2a: {  	p0 =	seq.s32 s5, $0x0;
	s5 =	sld [smem:$0x3FB3]  }
0x2b: {  	s6 =	sld [smem:$0x3FB4]  }
0x2c: {  	s7 =	sld [smem:$0x3FB5]  }
0x2d: {  	s3 =	simm.s32 $0x108;
	s8 =	sld [smem:$0x3FB6]  }
0x2e: {  	s3 =	simm.s32 @!p0 $0x1082;
	s9 =	sld [smem:$0x3FB7]  }
0x2f: {  	lr =	sadd.s32 s0, s3;
	s0 =	sld [smem:$0x3FAE]  }
0x30: {  	s3 =	sld [smem:$0x3FB1]  }
0x31: {  	[smem:$0x3FBA] =	sst s10  }
0x32: {  	s10 =	sld [smem:$0x3FB8];
	_ =	sdelay $0x3  }
0x33: {  	p0 =	seq.s32 s10, $0x1;
	s10 =	sld [smem:$0x3FBA];
	_ =	sdelay $0x3  }
0x34: {  	[smem:$0x3FBA] =	sst s10  }
0x35: {  	s10 =	sld [smem:$0x3FB9];
	_ =	sdelay $0x3  }
0x36: {  	p1 =	seq.s32 s10, $0x1;
	s10 =	sld [smem:$0x3FBA];
	_ =	sdelay $0x3  }
0x37: {  	[smem:$0x3FBA] =	sst s10  }
0x38: {  	s10 =	sld [smem:$0x3FBB]  }
0x39: {  	_ = 	snop;
	(pc) =	sbr.ind lr, $3  }
0x3a: {  	_ = 	snop  }
0x3b: {  	_ = 	snop  }
0x3c: {  	p2 =	seq.s32 s10, $0x1;
	s10 =	sld [smem:$0x3FBA]  }
0x3d: {  	_ =	shalt  }
0x3e: {  	_ =	shalt  }
0x3f: {  	_ =	shalt  }
0x40: {  	_ =	shalt  }
0x41: {  	_ =	shalt  }
0x42: {  	_ =	shalt  }
0x43: {  	_ =	shalt  }
0x44: {  	_ =	shalt  }
0x45: {  	_ =	shalt  }
0x46: {  	_ =	shalt  }
0x47: {  	_ =	shalt  }
0x48: {  	_ =	shalt  }
0x49: {  	_ =	shalt  }
0x4a: {  	_ =	shalt  }
0x4b: {  	_ =	shalt  }
0x4c: {  	_ =	shalt  }
0x4d: {  	_ =	shalt  }
0x4e: {  	_ =	shalt  }
0x4f: {  	_ =	shalt  }
0x50: {  	_ =	shalt  }
0x51: {  	_ =	shalt  }
0x52: {  	_ =	shalt  }
0x53: {  	_ =	shalt  }
0x54: {  	_ =	shalt  }
0x55: {  	_ =	shalt  }
0x56: {  	_ =	shalt  }
0x57: {  	_ =	shalt  }
0x58: {  	_ =	shalt  }
0x59: {  	_ =	shalt  }
0x5a: {  	_ =	shalt  }
0x5b: {  	_ =	shalt  }
0x5c: {  	_ =	shalt  }
0x5d: {  	_ =	shalt  }
0x5e: {  	_ =	shalt  }
0x5f: {  	_ =	shalt  }
0x60: {  	_ =	shalt  }
0x61: {  	_ =	shalt  }
0x62: {  	_ =	shalt  }
0x63: {  	_ =	shalt  }
0x64: {  	_ =	shalt  }
0x65: {  	_ =	shalt  }
0x66: {  	_ =	shalt  }
0x67: {  	_ =	shalt  }
0x68: {  	_ =	shalt  }
0x69: {  	_ =	shalt  }
0x6a: {  	_ =	shalt  }
0x6b: {  	_ =	shalt  }
0x6c: {  	_ =	shalt  }
0x6d: {  	_ =	shalt  }
0x6e: {  	_ =	shalt  }
0x6f: {  	_ =	shalt  }
0x70: {  	_ =	shalt  }
0x71: {  	_ =	shalt  }
0x72: {  	_ =	shalt  }
0x73: {  	_ =	shalt  }
0x74: {  	_ =	shalt  }
0x75: {  	_ =	shalt  }
0x76: {  	_ =	shalt  }
0x77: {  	_ =	shalt  }
0x78: {  	_ =	shalt  }
0x79: {  	_ =	shalt  }
0x7a: {  	_ =	shalt  }
0x7b: {  	_ =	shalt  }
0x7c: {  	_ =	shalt  }
0x7d: {  	_ =	shalt  }
0x7e: {  	_ =	shalt  }
0x7f: {  	_ =	shalt  }
0x80: {  	_ =	shalt  }
0x81: {  	_ =	shalt  }
0x82: {  	_ =	shalt  }
0x83: {  	_ =	shalt  }
0x84: {  	_ =	shalt  }
0x85: {  	_ =	shalt  }
0x86: {  	_ =	shalt  }
0x87: {  	_ =	shalt  }
.Lfunc_end0:
.L_simem_size_0:
called_computation.1_lowered:
.L_overlay_start_0:
0x88: {  	s2 =	sld [smem:$0x3FD9]  }
0x89: {  	s3 =	sld [smem:$0x3FFE];
	_ =	sdelay $0x1  }
0x8a: {  	s1 =	srdreg.scid  }
0x8b: {  	s0 =	sand.u32 $0x1, s1  }
0x8c: {  	s17 =	sshll.u32 s0, $0xA;
	s2 =	sadd.s32 s3, s2  }
0x8d: {  	s2 =	sadd.s32 s2, s17  }
0x8e: {  	[smem:$0x3FC6] =	sst s2  }
0x8f: {  	_ = 	snop  }
0x90: {  	s2 =	sld [smem:$0x3FD0];
	(tm) =	ssettm $0x1  }
0x91: {  	s18 =	sld [smem:$0x3FFB];
	_ =	sdelay $0x3  }
0x92: {  	_ =	strace s18  }
0x93: {  	s3 =	sld [smem:$0x3FFC];
	_ =	sdelay $0x3  }
0x94: {  	_ =	strace s3  }
0x95: {  	s3 =	sld [smem:$0x3FFD];
	_ =	sdelay $0x3  }
0x96: {  	_ =	strace s3  }
0x97: {  	_ =	strace $0x8FFFFFFF  }
0x98: {  	s19 =	sld [smem:$0x3FDB];
	_ =	sdelay $0x1  }
0x99: {  	s4 =	simm.s32 $_scs_section_size  }
0x9a: {  	s5 =	simm.s32 $_size__tile_overlayer_lowered;
	s6 =	simm.s32 $_tile_overlayer_lowered  }
0x9b: {  	s22 =	simm.s32 $0x1BFF;
	s21 =	sshll.u32 s6, $0x1;
	s3 =	sadd.s32 s4, s19  }
0x9c: {  	s7 =	simm.s32 $0x0;
	s20 =	sshll.u32 s5, $0x1;
	s5 =	sadd.s32 s21, s3  }
0x9d: {  	[timem:s7], [sflag:s22] =	dma.local [hbm:s5], s20  }
0x9e: {  	_ =	swait.ge [sflag:s22], s20  }
0x9f: {  	s4 =	ssub.s32 $0x0, s20;
	[sflag:s22] =	ssyncset.done $0x0  }
0xa0: {  	[sflag:s22] =	ssyncadd.s32 s4;
	_ =	sdelay $0x1  }
0xa1: {  	s23 =	simm.s32 $0x1B8B  }
0xa2: {  	_ =	swait.ge [sflag:s23], $0x1  }
0xa3: {  	[sflag:s23] =	ssyncset.done $0x0  }
0xa4: {  	s25 =	simm.s32 $0x1B8E;
	s24 =	sld [smem:$0x3FFE];
	[sflag:s23] =	ssyncadd.s32 $0xFFFFFFFF  }
0xa5: {  	s26 =	simm.s32 $execute0_lowered;
	[smem:$0x3FD2] =	sst s25  }
0xa6: {  	s5 =	sshll.u32 s26, $0x1;
	_ =	strace $0x80000046;
	[dreg:$0x1] =	wrdreg $0xFFFFFFFF  }
0xa7: {  	s28 =	simm.s32 $_size_execute0_lowered;
	s3 =	sadd.s32 s3, s5;
	[dreg:$0x0] =	wrdreg $0x0  }
0xa8: {  	s5 =	sshll.u32 s28, $0x1;
	[dreg:$0x2] =	wrdreg s3  }
0xa9: {  	[dreg:$0x3] =	wrdreg s5  }
0xaa: {  	[dreg:$0x4] =	wrdreg $0xC0  }
0xab: {  	_ =	task [dreg:s7], $0x5FFFF  }
0xac: {  	[dreg:$0x1] =	wrdreg $0xFFFFFFFF  }
0xad: {  	[dreg:$0x0] =	wrdreg $0x60  }
0xae: {  	[dreg:$0x2] =	wrdreg s24  }
0xaf: {  	[dreg:$0x3] =	wrdreg s2  }
0xb0: {  	[dreg:$0x4] =	wrdreg $0x9  }
0xb1: {  	_ =	task.clear_ibuf [dreg:s7], $0x5FFFF;
	_ =	strace $0x90000046  }
0xb2: {  	s29 =	simm.s32 $0x9;
	_ =	strace $0x80000048  }
0xb3: {  	_ =	swait.ge [sflag:s29], $0x1  }
0xb4: {  	[sflag:s29] =	ssyncadd.s32 $0xFFFFFFFF  }
0xb5: {  	_ =	strace $0x90000048  }
0xb6: {  	_ =	sfence  }
0xb7: {  	s30 =	sld [smem:$0x0];
	_ =	sdelay $0x2  }
0xb8: {  	s31 =	sshll.u32 s1, $0xD;
	s1 =	sshrl.u32 s1, $0x2  }
0xb9: {  	s3 =	sand.u32 $0x4000, s31;
	s1 =	sadd.s32 s1, s30  }
0xba: {  	s0 =	sor.u32 s3, s0;
	s1 =	sshll.u32 s1, $0x11  }
0xbb: {  	s0 =	sor.u32 s1, s0  }
0xbc: {  	s0 =	sadd.s32 $0x8F2B, s0  }
0xbd: {  	[sflag:s0] =	ssyncadd.remote.s32 $0x1  }
0xbe: {  	_ =	sfence.sel $0xFFFF  }
0xbf: {  	[dreg:$0x0] =	wrdreg $0xFFFFFFFF;
	(pc) =	sbr.abs _section_cstart, $3  }
0xc0: {  	[dreg:$0x1] =	wrdreg $0xFFFFFFFF  }
0xc1: {  	_ =	task.clear_ibuf [dreg:s7], $0x2FFFF;
	_ =	strace $0x9FFFFFFF  }
0xc2: {  	(tm) =	ssettm $0x7FFFFFFF  }
0xc3: {  	_ =	shalt  }
tec
execute0_lowered:
.L_overlay_start_1:
0x0: {  	(tag) =	ssettag $0x1  }
0x1: {  	s0 =	srdreg.scid;
	s7 =	stileid.u32  }
0x2: {  	s0 =	sand.u32 $0x1, s0;
	s2 =	smul.u32 $0x3800, s7  }
0x3: {  	s3 =	smul.u32 $0x1C00, s0;
	_ =	sdelay $0x1  }
0x4: {  	s4 =	sadd.s32 s3, s2  }
0x5: {  	s1 =	rddreg [dreg:$0x0];
	s3 =	sor.u32 $0x80, s4  }
0x6: {  	s2 =	rddreg [dreg:$0x1];
	s5 =	sshrl.u32 s3, $0x3;
	s3 =	simm.s32 $0x0  }
0x7: {  	s22 =	simm.s32 $0x2400;
	[smem:$0x7FF] =	sst s3  }
0x8: {  	s23 =	simm.s32 $0x2800;
	_ =	strace $0x80000047;
	[dreg:$0x5] =	wrdreg s22  }
0x9: {  	s24 =	simm.s32 $0x3000;
	[dreg:$0x6] =	wrdreg s23  }
0xa: {  	s25 =	simm.s32 $0x3400;
	[dreg:$0x7] =	wrdreg s24  }
0xb: {  	s26 =	simm.s32 $0x3C00;
	[dreg:$0x8] =	wrdreg s25  }
0xc: {  	s8 =	simm.s32 $0x4C00;
	[dreg:$0x9] =	wrdreg s26  }
0xd: {  	s9 =	simm.s32 $0x5400;
	[dreg:$0xc] =	wrdreg s8  }
0xe: {  	s10 =	simm.s32 $0x5800;
	[dreg:$0xd] =	wrdreg s9  }
0xf: {  	s11 =	simm.s32 $0x6000;
	[dreg:$0xe] =	wrdreg s10  }
0x10: {  	s12 =	simm.s32 $0x6400;
	[dreg:$0xf] =	wrdreg s11  }
0x11: {  	s13 =	simm.s32 $0x6C00;
	[dreg:$0x10] =	wrdreg s12  }
0x12: {  	s14 =	simm.s32 $0x7000;
	[dreg:$0x11] =	wrdreg s13  }
0x13: {  	s15 =	simm.s32 $0x7800;
	[dreg:$0x12] =	wrdreg s14  }
0x14: {  	s16 =	simm.s32 $0x7C00;
	[dreg:$0x13] =	wrdreg s15  }
0x15: {  	s17 =	simm.s32 $0x8400;
	[dreg:$0x14] =	wrdreg s16  }
0x16: {  	s18 =	simm.s32 $0x8800;
	[dreg:$0x15] =	wrdreg s17  }
0x17: {  	s19 =	simm.s32 $0x9000;
	s4 =	sshrl.u32 s4, $0x3;
	[dreg:$0x16] =	wrdreg s18  }
0x18: {  	s20 =	simm.s32 $0x9400;
	s4 =	smul.u32 $0x180, s4;
	[dreg:$0x17] =	wrdreg s19  }
0x19: {  	s21 =	simm.s32 $0x9C00;
	s6 =	sadd.s32 $0x7800, s1;
	[dreg:$0x18] =	wrdreg s20  }
0x1a: {  	s4 =	sadd.s32 s4, s6;
	[dreg:$0x19] =	wrdreg s21  }
0x1b: {  	s22 =	simm.s32 $0xA000;
	[dreg:$0x4] =	wrdreg s4  }
0x1c: {  	s23 =	simm.s32 $0xA800;
	[dreg:$0x1a] =	wrdreg s22  }
0x1d: {  	s24 =	simm.s32 $0xAC00;
	[dreg:$0x1b] =	wrdreg s23  }
0x1e: {  	s25 =	simm.s32 $0xB400;
	[dreg:$0x1c] =	wrdreg s24  }
0x1f: {  	s26 =	simm.s32 $0xB800;
	[dreg:$0x1d] =	wrdreg s25  }
0x20: {  	s8 =	simm.s32 $0xCC00;
	[dreg:$0x1e] =	wrdreg s26  }
0x21: {  	s9 =	simm.s32 $0xD000;
	[smem:$0x7EB] =	sst s8  }
0x22: {  	s10 =	simm.s32 $0xD800;
	[smem:$0x7EC] =	sst s9  }
0x23: {  	s12 =	simm.s32 $0xE400;
	[smem:$0x7ED] =	sst s10  }
0x24: {  	s28 =	simm.s32 $0x19800;
	s13 =	simm.s32 $0xE800;
	[smem:$0x7EE] =	sst s12  }
0x25: {  	s29 =	simm.s32 $0x2;
	s14 =	simm.s32 $0xF000;
	[smem:$0x7EF] =	sst s13  }
0x26: {  	s30 =	simm.s32 $0x3;
	s15 =	simm.s32 $0xF400;
	[smem:$0x7F0] =	sst s14  }
0x27: {  	s31 =	simm.s32 $0x4;
	s16 =	simm.s32 $0xFC00;
	[smem:$0x7F1] =	sst s15  }
0x28: {  	s5 =	smul.u32 $0x180, s5;
	s17 =	simm.s32 $0x10000;
	[smem:$0x7F2] =	sst s16  }
0x29: {  	s11 =	sshll.u32 s7, $0x1;
	s18 =	simm.s32 $0x10800;
	[smem:$0x7F3] =	sst s17  }
0x2a: {  	s20 =	simm.s32 $0x10C00;
	s21 =	simm.s32 $0x11400;
	[smem:$0x7F4] =	sst s18  }
0x2b: {  	s5 =	sadd.s32 s5, s6;
	s6 =	simm.s32 $0x4800;
	[smem:$0x7F5] =	sst s20  }
0x2c: {  	[smem:$0x7F7] =	sst s21;
	s22 =	simm.s32 $0x11800;
	s23 =	simm.s32 $0x12000  }
0x2d: {  	s24 =	simm.s32 $0x12400;
	s25 =	simm.s32 $0x12C00;
	s8 =	simm.s32 $0x1C00  }
0x2e: {  	s26 =	simm.s32 $0x13000;
	s9 =	simm.s32 $0x1;
	[dreg:$0x3] =	wrdreg s5  }
0x2f: {  	s10 =	simm.s32 $0xDC00;
	s12 =	simm.s32 $0x13C00;
	[dreg:$0xb] =	wrdreg s6  }
0x30: {  	s13 =	simm.s32 $0x14400;
	s14 =	simm.s32 $0x14800;
	[smem:$0x7F8] =	sst s22  }
0x31: {  	s15 =	simm.s32 $0x15000;
	s16 =	simm.s32 $0x15400;
	[smem:$0x7FA] =	sst s23  }
0x32: {  	s17 =	simm.s32 $0x15C00;
	s18 =	simm.s32 $0x16000;
	[smem:$0x7FB] =	sst s24  }
0x33: {  	s20 =	simm.s32 $0x16C00;
	s21 =	simm.s32 $0x17400;
	[smem:$0x7FC] =	sst s25  }
0x34: {  	s5 =	simm.s32 $0x4000;
	s6 =	simm.s32 $0xC400;
	[smem:$0x7FD] =	sst s26  }
0x35: {  	s22 =	simm.s32 $0x17800;
	[dreg:$0xa] =	wrdreg s5;
	s5 =	simm.s32 $0xC000  }
0x36: {  	s23 =	simm.s32 $0x18000;
	[dreg:$0x1f] =	wrdreg s5;
	s5 =	sor.u32 s0, s11  }
0x37: {  	s24 =	simm.s32 $0x18400;
	s0 =	ssub.s32 $0x2, s0;
	s5 =	smul.u32 $0x1C00, s5  }
0x38: {  	s25 =	simm.s32 $0x18C00;
	s26 =	simm.s32 $0x19000;
	s19 =	sshrl.u32 s0, $0x1  }
0x39: {  	[smem:$0x7EA] =	sst s6;
	s0 =	ssub.s32 s0, s19;
	s5 =	sshrl.u32 s5, $0x3  }
0x3a: {  	v2 =	vlaneseq.u32;
	s11 =	simm.s32 $0x13800;
	s0 =	smax.u32 s0, $0x1;
	s1 =	sadd.s32 s5, s1  }
0x3b: {  	vm0 =	vmmov $0xffff;
	vm1 =	vmmov $0xff;
	v1 =	vshrl.u32 v2, $0x3;
	s19 =	simm.s32 $0x16800;
	[smem:$0x7F9] =	sst s0;
	s1 =	sadd.s32 $0x800, s1  }
0x3c: {  	v0 =	vand.u32 $0x7, v2;
	v2 =	vor.u32 $0x8, v2;
	v1 =	vmul.u32 $0x8, v1;
	s5 =	sadd.s32 $0x100, s2;
	[smem:$0x7F6] =	sst s1;
	s1 =	simm.s32 $0x0  }
.LBB2_1:
0x3d: {  	s0 =	sld [smem:$0x7F6];
	_ =	sdelay $0x1  }
0x3e: {  	s7 =	simm.s32 $0x5  }
0x3f: {  	[tilespmem:s3], [sflag:$0x5] =	stream.linear.gather [hbm4b:s0+s3], $0x1C00, $0x38;
	[tilespmem:$0x19C00] =	vst v63  }
0x40: {  	_ =	swait.ge [sflag:s7], $0x1C00  }
0x41: {  	[sflag:s7] =	ssyncset.done $0x0  }
0x42: {  	s4 =	simm.s32 $0x0;
	s0 =	simm.s32 $0x80;
	[sflag:s7] =	ssyncadd.s32 $0xFFFFE400  }
.LBB2_2:
0x43: {  	p0 =	seq.s32 s4, $0x0  }
0x44: {  	s6 =	simm.s32 @!p0 $0x3  }
0x45: {  	_ =	swait.ge @!p0 [sflag:s6], $0xC000  }
0x46: {  	[sflag:s6] =	ssyncset.done @!p0 $0x0  }
0x47: {  	[sflag:s6] =	ssyncadd.s32 @!p0 $0xFFFF4000  }
0x48: {  	v3 =	vld [tilespmem:s0+$0xFFFFFF80];
	_ =	sdelay $0x4  }
0x49: {  	v4 =	vshrl.u32 v3, $0x3  }
0x4a: {  	v4 =	vmul.u32 $0x18, v4  }
0x4b: {  	v3 =	vand.u32 $0x7, v3  }
0x4c: {  	v3 =	vor.u32 v3, v4  }
0x4d: {  	v4 =	vperm.xlane v3, v0;
	_ =	sdelay $0x1  }
0x4e: {  	v4 =	vadd.s32 v1, v4;
	_ =	sdelay $0x1  }
0x4f: {  	v3 =	vperm.xlane v3, v2;
	_ =	sdelay $0x1  }
0x50: {  	v3 =	vadd.s32 v1, v3  }
0x51: {  	[tilespmem:s8], [sflag:$0x1] =	stream.indirect_vreg.gather [hbm4b:s2+s3], $0x80, v4, vm0, $0xb8;
	[tilespmem:$0x19C00] =	vst v63  }
0x52: {  	s6 =	rddreg [dreg:$0x5]  }
0x53: {  	[tilespmem:s6], [sflag:$0x1] =	stream.indirect_vreg.gather [hbm4b:s5+s3], $0x80, v4, vm1, $0xb8;
	[tilespmem:$0x19C00] =	vst v63  }
0x54: {  	s7 =	rddreg [dreg:$0x6]  }
0x55: {  	[tilespmem:s7], [sflag:$0x1] =	stream.indirect_vreg.gather [hbm4b:s2+s3], $0x80, v3, vm0, $0xb8;
	[tilespmem:$0x19C00] =	vst v63  }
0x56: {  	s6 =	rddreg [dreg:$0x7]  }
0x57: {  	[tilespmem:s6], [sflag:$0x1] =	stream.indirect_vreg.gather [hbm4b:s5+s3], $0x80, v3, vm1, $0xb8;
	[tilespmem:$0x19C00] =	vst v63  }
0x58: {  	v3 =	vld [tilespmem:s0+$0xFFFFFF90];
	_ =	sdelay $0x4  }
0x59: {  	v49 =	vshrl.u32 v3, $0x3  }
0x5a: {  	v4 =	vmul.u32 $0x18, v49  }
0x5b: {  	v3 =	vand.u32 $0x7, v3  }
0x5c: {  	v3 =	vor.u32 v3, v4  }
0x5d: {  	v4 =	vperm.xlane v3, v0;
	_ =	sdelay $0x1  }
0x5e: {  	v4 =	vadd.s32 v1, v4;
	_ =	sdelay $0x1  }
0x5f: {  	v3 =	vperm.xlane v3, v2;
	_ =	sdelay $0x1  }
0x60: {  	s6 =	rddreg [dreg:$0x8];
	v3 =	vadd.s32 v1, v3  }
0x61: {  	[tilespmem:s6], [sflag:$0x1] =	stream.indirect_vreg.gather [hbm4b:s2+s3], $0x80, v4, vm0, $0xb8;
	[tilespmem:$0x19C00] =	vst v63  }
0x62: {  	s7 =	rddreg [dreg:$0x9]  }
0x63: {  	[tilespmem:s7], [sflag:$0x1] =	stream.indirect_vreg.gather [hbm4b:s5+s3], $0x80, v4, vm1, $0xb8;
	[tilespmem:$0x19C00] =	vst v63  }
0x64: {  	s6 =	rddreg [dreg:$0xa]  }
0x65: {  	[tilespmem:s6], [sflag:$0x1] =	stream.indirect_vreg.gather [hbm4b:s2+s3], $0x80, v3, vm0, $0xb8;
	[tilespmem:$0x19C00] =	vst v63  }
0x66: {  	s7 =	rddreg [dreg:$0xb]  }
0x67: {  	[tilespmem:s7], [sflag:$0x1] =	stream.indirect_vreg.gather [hbm4b:s5+s3], $0x80, v3, vm1, $0xb8;
	[tilespmem:$0x19C00] =	vst v63  }
0x68: {  	v3 =	vld [tilespmem:s0+$0xFFFFFFA0];
	_ =	sdelay $0x4  }
0x69: {  	v50 =	vshrl.u32 v3, $0x3  }
0x6a: {  	v4 =	vmul.u32 $0x18, v50  }
0x6b: {  	v3 =	vand.u32 $0x7, v3  }
0x6c: {  	v3 =	vor.u32 v3, v4  }
0x6d: {  	v4 =	vperm.xlane v3, v0;
	_ =	sdelay $0x1  }
0x6e: {  	v4 =	vadd.s32 v1, v4;
	_ =	sdelay $0x1  }
0x6f: {  	v3 =	vperm.xlane v3, v2;
	_ =	sdelay $0x1  }
0x70: {  	s6 =	rddreg [dreg:$0xc];
	v3 =	vadd.s32 v1, v3  }
0x71: {  	[tilespmem:s6], [sflag:$0x1] =	stream.indirect_vreg.gather [hbm4b:s2+s3], $0x80, v4, vm0, $0xb8;
	[tilespmem:$0x19C00] =	vst v63  }
0x72: {  	s7 =	rddreg [dreg:$0xd]  }
0x73: {  	[tilespmem:s7], [sflag:$0x1] =	stream.indirect_vreg.gather [hbm4b:s5+s3], $0x80, v4, vm1, $0xb8;
	[tilespmem:$0x19C00] =	vst v63  }
0x74: {  	s6 =	rddreg [dreg:$0xe]  }
0x75: {  	[tilespmem:s6], [sflag:$0x1] =	stream.indirect_vreg.gather [hbm4b:s2+s3], $0x80, v3, vm0, $0xb8;
	[tilespmem:$0x19C00] =	vst v63  }
0x76: {  	s7 =	rddreg [dreg:$0xf]  }
0x77: {  	[tilespmem:s7], [sflag:$0x1] =	stream.indirect_vreg.gather [hbm4b:s5+s3], $0x80, v3, vm1, $0xb8;
	[tilespmem:$0x19C00] =	vst v63  }
0x78: {  	v3 =	vld [tilespmem:s0+$0xFFFFFFB0];
	_ =	sdelay $0x4  }
0x79: {  	v51 =	vshrl.u32 v3, $0x3  }
0x7a: {  	v4 =	vmul.u32 $0x18, v51  }
0x7b: {  	v3 =	vand.u32 $0x7, v3  }
0x7c: {  	v3 =	vor.u32 v3, v4  }
0x7d: {  	v4 =	vperm.xlane v3, v0;
	_ =	sdelay $0x1  }
0x7e: {  	v4 =	vadd.s32 v1, v4;
	_ =	sdelay $0x1  }
0x7f: {  	v3 =	vperm.xlane v3, v2;
	_ =	sdelay $0x1  }
0x80: {  	s6 =	rddreg [dreg:$0x10];
	v3 =	vadd.s32 v1, v3  }
0x81: {  	[tilespmem:s6], [sflag:$0x1] =	stream.indirect_vreg.gather [hbm4b:s2+s3], $0x80, v4, vm0, $0xb8;
	[tilespmem:$0x19C00] =	vst v63  }
0x82: {  	s7 =	rddreg [dreg:$0x11]  }
0x83: {  	[tilespmem:s7], [sflag:$0x1] =	stream.indirect_vreg.gather [hbm4b:s5+s3], $0x80, v4, vm1, $0xb8;
	[tilespmem:$0x19C00] =	vst v63  }
0x84: {  	s6 =	rddreg [dreg:$0x12]  }
0x85: {  	[tilespmem:s6], [sflag:$0x1] =	stream.indirect_vreg.gather [hbm4b:s2+s3], $0x80, v3, vm0, $0xb8;
	[tilespmem:$0x19C00] =	vst v63  }
0x86: {  	s7 =	rddreg [dreg:$0x13]  }
0x87: {  	[tilespmem:s7], [sflag:$0x1] =	stream.indirect_vreg.gather [hbm4b:s5+s3], $0x80, v3, vm1, $0xb8;
	[tilespmem:$0x19C00] =	vst v63  }
0x88: {  	v3 =	vld [tilespmem:s0+$0xFFFFFFC0];
	_ =	sdelay $0x4  }
0x89: {  	v52 =	vshrl.u32 v3, $0x3  }
0x8a: {  	v4 =	vmul.u32 $0x18, v52  }
0x8b: {  	v3 =	vand.u32 $0x7, v3  }
0x8c: {  	v3 =	vor.u32 v3, v4  }
0x8d: {  	v4 =	vperm.xlane v3, v0;
	_ =	sdelay $0x1  }
0x8e: {  	v4 =	vadd.s32 v1, v4;
	_ =	sdelay $0x1  }
0x8f: {  	v3 =	vperm.xlane v3, v2;
	_ =	sdelay $0x1  }
0x90: {  	s6 =	rddreg [dreg:$0x14];
	v3 =	vadd.s32 v1, v3  }
0x91: {  	[tilespmem:s6], [sflag:$0x1] =	stream.indirect_vreg.gather [hbm4b:s2+s3], $0x80, v4, vm0, $0xb8;
	[tilespmem:$0x19C00] =	vst v63  }
0x92: {  	s7 =	rddreg [dreg:$0x15]  }
0x93: {  	[tilespmem:s7], [sflag:$0x1] =	stream.indirect_vreg.gather [hbm4b:s5+s3], $0x80, v4, vm1, $0xb8;
	[tilespmem:$0x19C00] =	vst v63  }
0x94: {  	s6 =	rddreg [dreg:$0x16]  }
0x95: {  	[tilespmem:s6], [sflag:$0x1] =	stream.indirect_vreg.gather [hbm4b:s2+s3], $0x80, v3, vm0, $0xb8;
	[tilespmem:$0x19C00] =	vst v63  }
0x96: {  	s7 =	rddreg [dreg:$0x17]  }
0x97: {  	[tilespmem:s7], [sflag:$0x1] =	stream.indirect_vreg.gather [hbm4b:s5+s3], $0x80, v3, vm1, $0xb8;
	[tilespmem:$0x19C00] =	vst v63  }
0x98: {  	v3 =	vld [tilespmem:s0+$0xFFFFFFD0];
	_ =	sdelay $0x4  }
0x99: {  	v53 =	vshrl.u32 v3, $0x3  }
0x9a: {  	v4 =	vmul.u32 $0x18, v53  }
0x9b: {  	v3 =	vand.u32 $0x7, v3  }
0x9c: {  	v3 =	vor.u32 v3, v4  }
0x9d: {  	v4 =	vperm.xlane v3, v0;
	_ =	sdelay $0x1  }
0x9e: {  	v4 =	vadd.s32 v1, v4;
	_ =	sdelay $0x1  }
0x9f: {  	v3 =	vperm.xlane v3, v2;
	_ =	sdelay $0x1  }
0xa0: {  	s6 =	rddreg [dreg:$0x18];
	v3 =	vadd.s32 v1, v3  }
0xa1: {  	[tilespmem:s6], [sflag:$0x1] =	stream.indirect_vreg.gather [hbm4b:s2+s3], $0x80, v4, vm0, $0xb8;
	[tilespmem:$0x19C00] =	vst v63  }
0xa2: {  	s7 =	rddreg [dreg:$0x19]  }
0xa3: {  	[tilespmem:s7], [sflag:$0x1] =	stream.indirect_vreg.gather [hbm4b:s5+s3], $0x80, v4, vm1, $0xb8;
	[tilespmem:$0x19C00] =	vst v63  }
0xa4: {  	s6 =	rddreg [dreg:$0x1a]  }
0xa5: {  	[tilespmem:s6], [sflag:$0x1] =	stream.indirect_vreg.gather [hbm4b:s2+s3], $0x80, v3, vm0, $0xb8;
	[tilespmem:$0x19C00] =	vst v63  }
0xa6: {  	s7 =	rddreg [dreg:$0x1b]  }
0xa7: {  	[tilespmem:s7], [sflag:$0x1] =	stream.indirect_vreg.gather [hbm4b:s5+s3], $0x80, v3, vm1, $0xb8;
	[tilespmem:$0x19C00] =	vst v63  }
0xa8: {  	v3 =	vld [tilespmem:s0+$0xFFFFFFE0];
	_ =	sdelay $0x4  }
0xa9: {  	v54 =	vshrl.u32 v3, $0x3  }
0xaa: {  	v4 =	vmul.u32 $0x18, v54  }
0xab: {  	v3 =	vand.u32 $0x7, v3  }
0xac: {  	v3 =	vor.u32 v3, v4  }
0xad: {  	v4 =	vperm.xlane v3, v0;
	_ =	sdelay $0x1  }
0xae: {  	v4 =	vadd.s32 v1, v4;
	_ =	sdelay $0x1  }
0xaf: {  	v3 =	vperm.xlane v3, v2;
	_ =	sdelay $0x1  }
0xb0: {  	s6 =	rddreg [dreg:$0x1c];
	v3 =	vadd.s32 v1, v3  }
0xb1: {  	[tilespmem:s6], [sflag:$0x1] =	stream.indirect_vreg.gather [hbm4b:s2+s3], $0x80, v4, vm0, $0xb8;
	[tilespmem:$0x19C00] =	vst v63  }
0xb2: {  	s7 =	rddreg [dreg:$0x1d]  }
0xb3: {  	[tilespmem:s7], [sflag:$0x1] =	stream.indirect_vreg.gather [hbm4b:s5+s3], $0x80, v4, vm1, $0xb8;
	[tilespmem:$0x19C00] =	vst v63  }
0xb4: {  	s6 =	rddreg [dreg:$0x1e]  }
0xb5: {  	[tilespmem:s6], [sflag:$0x1] =	stream.indirect_vreg.gather [hbm4b:s2+s3], $0x80, v3, vm0, $0xb8;
	[tilespmem:$0x19C00] =	vst v63  }
0xb6: {  	s7 =	rddreg [dreg:$0x1f]  }
0xb7: {  	[tilespmem:s7], [sflag:$0x1] =	stream.indirect_vreg.gather [hbm4b:s5+s3], $0x80, v3, vm1, $0xb8;
	[tilespmem:$0x19C00] =	vst v63  }
0xb8: {  	v3 =	vld [tilespmem:s0+$0xFFFFFFF0];
	_ =	sdelay $0x4  }
0xb9: {  	v55 =	vshrl.u32 v3, $0x3  }
0xba: {  	v4 =	vmul.u32 $0x18, v55  }
0xbb: {  	v3 =	vand.u32 $0x7, v3  }
0xbc: {  	v3 =	vor.u32 v3, v4  }
0xbd: {  	v4 =	vperm.xlane v3, v0;
	_ =	sdelay $0x1  }
0xbe: {  	v4 =	vadd.s32 v1, v4;
	_ =	sdelay $0x1  }
0xbf: {  	s6 =	sld [smem:$0x7EA];
	v3 =	vperm.xlane v3, v2;
	_ =	sdelay $0x1  }
0xc0: {  	s7 =	sld [smem:$0x7EB];
	v3 =	vadd.s32 v1, v3  }
0xc1: {  	[tilespmem:s6], [sflag:$0x1] =	stream.indirect_vreg.gather [hbm4b:s2+s3], $0x80, v4, vm0, $0xb8;
	[tilespmem:$0x19C00] =	vst v63  }
0xc2: {  	s6 =	sld [smem:$0x7EC]  }
0xc3: {  	[tilespmem:s7], [sflag:$0x1] =	stream.indirect_vreg.gather [hbm4b:s5+s3], $0x80, v4, vm1, $0xb8;
	[tilespmem:$0x19C00] =	vst v63  }
0xc4: {  	s7 =	sld [smem:$0x7ED]  }
0xc5: {  	[tilespmem:s6], [sflag:$0x1] =	stream.indirect_vreg.gather [hbm4b:s2+s3], $0x80, v3, vm0, $0xb8;
	[tilespmem:$0x19C00] =	vst v63  }
0xc6: {  	_ = 	snop  }
0xc7: {  	[tilespmem:s7], [sflag:$0x1] =	stream.indirect_vreg.gather [hbm4b:s5+s3], $0x80, v3, vm1, $0xb8;
	[tilespmem:$0x19C00] =	vst v63  }
0xc8: {  	_ =	swait.ge [sflag:s9], $0xC000  }
0xc9: {  	s7 =	rddreg [dreg:$0x4];
	[sflag:s9] =	ssyncset.done $0x0  }
0xca: {  	[sflag:s9] =	ssyncadd.s32 $0xFFFF4000;
	s6 =	sadd.s32 s4, s7  }
0xcb: {  	[hbm4b:s6+s3] =	stream.linear.scatter [tilespmem:s8], [sflag:$0x3], $0xC000, $0x38;
	[tilespmem:$0x19C00] =	vst v63  }
0xcc: {  	s6 =	simm.s32 @!p0 $0x4  }
0xcd: {  	_ =	swait.ge @!p0 [sflag:s6], $0xC000  }
0xce: {  	[sflag:s6] =	ssyncset.done @!p0 $0x0  }
0xcf: {  	[sflag:s6] =	ssyncadd.s32 @!p0 $0xFFFF4000  }
0xd0: {  	v3 =	vld [tilespmem:s0+$0x0];
	_ =	sdelay $0x4  }
0xd1: {  	v56 =	vshrl.u32 v3, $0x3  }
0xd2: {  	v4 =	vmul.u32 $0x18, v56  }
0xd3: {  	v3 =	vand.u32 $0x7, v3  }
0xd4: {  	v3 =	vor.u32 v3, v4  }
0xd5: {  	v4 =	vperm.xlane v3, v0;
	_ =	sdelay $0x1  }
0xd6: {  	v4 =	vadd.s32 v1, v4;
	_ =	sdelay $0x1  }
0xd7: {  	v3 =	vperm.xlane v3, v2;
	_ =	sdelay $0x1  }
0xd8: {  	s6 =	sld [smem:$0x7EE];
	v3 =	vadd.s32 v1, v3  }
0xd9: {  	[tilespmem:s10], [sflag:$0x2] =	stream.indirect_vreg.gather [hbm4b:s2+s3], $0x80, v4, vm0, $0xb8;
	[tilespmem:$0x19C00] =	vst v63  }
0xda: {  	s7 =	sld [smem:$0x7EF]  }
0xdb: {  	[tilespmem:s6], [sflag:$0x2] =	stream.indirect_vreg.gather [hbm4b:s5+s3], $0x80, v4, vm1, $0xb8;
	[tilespmem:$0x19C00] =	vst v63  }
0xdc: {  	s6 =	sld [smem:$0x7F0]  }
0xdd: {  	[tilespmem:s7], [sflag:$0x2] =	stream.indirect_vreg.gather [hbm4b:s2+s3], $0x80, v3, vm0, $0xb8;
	[tilespmem:$0x19C00] =	vst v63  }
0xde: {  	_ = 	snop  }
0xdf: {  	[tilespmem:s6], [sflag:$0x2] =	stream.indirect_vreg.gather [hbm4b:s5+s3], $0x80, v3, vm1, $0xb8;
	[tilespmem:$0x19C00] =	vst v63  }
0xe0: {  	v3 =	vld [tilespmem:s0+$0x10];
	_ =	sdelay $0x4  }
0xe1: {  	v57 =	vshrl.u32 v3, $0x3  }
0xe2: {  	v4 =	vmul.u32 $0x18, v57  }
0xe3: {  	v3 =	vand.u32 $0x7, v3  }
0xe4: {  	v3 =	vor.u32 v3, v4  }
0xe5: {  	v4 =	vperm.xlane v3, v0;
	_ =	sdelay $0x1  }
0xe6: {  	v4 =	vadd.s32 v1, v4;
	_ =	sdelay $0x1  }
0xe7: {  	s6 =	sld [smem:$0x7F1];
	v3 =	vperm.xlane v3, v2;
	_ =	sdelay $0x1  }
0xe8: {  	s7 =	sld [smem:$0x7F2];
	v3 =	vadd.s32 v1, v3  }
0xe9: {  	[tilespmem:s6], [sflag:$0x2] =	stream.indirect_vreg.gather [hbm4b:s2+s3], $0x80, v4, vm0, $0xb8;
	[tilespmem:$0x19C00] =	vst v63  }
0xea: {  	s6 =	sld [smem:$0x7F3]  }
0xeb: {  	[tilespmem:s7], [sflag:$0x2] =	stream.indirect_vreg.gather [hbm4b:s5+s3], $0x80, v4, vm1, $0xb8;
	[tilespmem:$0x19C00] =	vst v63  }
0xec: {  	s7 =	sld [smem:$0x7F4]  }
0xed: {  	[tilespmem:s6], [sflag:$0x2] =	stream.indirect_vreg.gather [hbm4b:s2+s3], $0x80, v3, vm0, $0xb8;
	[tilespmem:$0x19C00] =	vst v63  }
0xee: {  	_ = 	snop  }
0xef: {  	[tilespmem:s7], [sflag:$0x2] =	stream.indirect_vreg.gather [hbm4b:s5+s3], $0x80, v3, vm1, $0xb8;
	[tilespmem:$0x19C00] =	vst v63  }
0xf0: {  	v3 =	vld [tilespmem:s0+$0x20];
	_ =	sdelay $0x4  }
0xf1: {  	v58 =	vshrl.u32 v3, $0x3  }
0xf2: {  	v4 =	vmul.u32 $0x18, v58  }
0xf3: {  	v3 =	vand.u32 $0x7, v3  }
0xf4: {  	v3 =	vor.u32 v3, v4  }
0xf5: {  	v4 =	vperm.xlane v3, v0;
	_ =	sdelay $0x1  }
0xf6: {  	v4 =	vadd.s32 v1, v4;
	_ =	sdelay $0x1  }
0xf7: {  	s6 =	sld [smem:$0x7F5];
	v3 =	vperm.xlane v3, v2;
	_ =	sdelay $0x1  }
0xf8: {  	s7 =	sld [smem:$0x7F7];
	v3 =	vadd.s32 v1, v3  }
0xf9: {  	[tilespmem:s6], [sflag:$0x2] =	stream.indirect_vreg.gather [hbm4b:s2+s3], $0x80, v4, vm0, $0xb8;
	[tilespmem:$0x19C00] =	vst v63  }
0xfa: {  	s6 =	sld [smem:$0x7F8]  }
0xfb: {  	[tilespmem:s7], [sflag:$0x2] =	stream.indirect_vreg.gather [hbm4b:s5+s3], $0x80, v4, vm1, $0xb8;
	[tilespmem:$0x19C00] =	vst v63  }
0xfc: {  	s7 =	sld [smem:$0x7FA]  }
0xfd: {  	[tilespmem:s6], [sflag:$0x2] =	stream.indirect_vreg.gather [hbm4b:s2+s3], $0x80, v3, vm0, $0xb8;
	[tilespmem:$0x19C00] =	vst v63  }
0xfe: {  	_ = 	snop  }
0xff: {  	[tilespmem:s7], [sflag:$0x2] =	stream.indirect_vreg.gather [hbm4b:s5+s3], $0x80, v3, vm1, $0xb8;
	[tilespmem:$0x19C00] =	vst v63  }
0x100: {  	v3 =	vld [tilespmem:s0+$0x30];
	_ =	sdelay $0x4  }
0x101: {  	v59 =	vshrl.u32 v3, $0x3  }
0x102: {  	v4 =	vmul.u32 $0x18, v59  }
0x103: {  	v3 =	vand.u32 $0x7, v3  }
0x104: {  	v3 =	vor.u32 v3, v4  }
0x105: {  	v4 =	vperm.xlane v3, v0;
	_ =	sdelay $0x1  }
0x106: {  	v4 =	vadd.s32 v1, v4;
	_ =	sdelay $0x1  }
0x107: {  	s6 =	sld [smem:$0x7FB];
	v3 =	vperm.xlane v3, v2;
	_ =	sdelay $0x1  }
0x108: {  	s7 =	sld [smem:$0x7FC];
	v3 =	vadd.s32 v1, v3  }
0x109: {  	[tilespmem:s6], [sflag:$0x2] =	stream.indirect_vreg.gather [hbm4b:s2+s3], $0x80, v4, vm0, $0xb8;
	[tilespmem:$0x19C00] =	vst v63  }
0x10a: {  	s6 =	sld [smem:$0x7FD]  }
0x10b: {  	[tilespmem:s7], [sflag:$0x2] =	stream.indirect_vreg.gather [hbm4b:s5+s3], $0x80, v4, vm1, $0xb8;
	[tilespmem:$0x19C00] =	vst v63  }
0x10c: {  	_ = 	snop  }
0x10d: {  	[tilespmem:s6], [sflag:$0x2] =	stream.indirect_vreg.gather [hbm4b:s2+s3], $0x80, v3, vm0, $0xb8;
	[tilespmem:$0x19C00] =	vst v63  }
0x10e: {  	_ = 	snop  }
0x10f: {  	[tilespmem:s11], [sflag:$0x2] =	stream.indirect_vreg.gather [hbm4b:s5+s3], $0x80, v3, vm1, $0xb8;
	[tilespmem:$0x19C00] =	vst v63  }
0x110: {  	v3 =	vld [tilespmem:s0+$0x40];
	_ =	sdelay $0x4  }
0x111: {  	v60 =	vshrl.u32 v3, $0x3  }
0x112: {  	v4 =	vmul.u32 $0x18, v60  }
0x113: {  	v3 =	vand.u32 $0x7, v3  }
0x114: {  	v3 =	vor.u32 v3, v4  }
0x115: {  	v4 =	vperm.xlane v3, v0;
	_ =	sdelay $0x1  }
0x116: {  	v4 =	vadd.s32 v1, v4;
	_ =	sdelay $0x1  }
0x117: {  	v3 =	vperm.xlane v3, v2;
	_ =	sdelay $0x1  }
0x118: {  	v3 =	vadd.s32 v1, v3  }
0x119: {  	[tilespmem:s12], [sflag:$0x2] =	stream.indirect_vreg.gather [hbm4b:s2+s3], $0x80, v4, vm0, $0xb8;
	[tilespmem:$0x19C00] =	vst v63  }
0x11a: {  	_ = 	snop  }
0x11b: {  	[tilespmem:s13], [sflag:$0x2] =	stream.indirect_vreg.gather [hbm4b:s5+s3], $0x80, v4, vm1, $0xb8;
	[tilespmem:$0x19C00] =	vst v63  }
0x11c: {  	_ = 	snop  }
0x11d: {  	[tilespmem:s14], [sflag:$0x2] =	stream.indirect_vreg.gather [hbm4b:s2+s3], $0x80, v3, vm0, $0xb8;
	[tilespmem:$0x19C00] =	vst v63  }
0x11e: {  	_ = 	snop  }
0x11f: {  	[tilespmem:s15], [sflag:$0x2] =	stream.indirect_vreg.gather [hbm4b:s5+s3], $0x80, v3, vm1, $0xb8;
	[tilespmem:$0x19C00] =	vst v63  }
0x120: {  	v3 =	vld [tilespmem:s0+$0x50];
	_ =	sdelay $0x4  }
0x121: {  	v61 =	vshrl.u32 v3, $0x3  }
0x122: {  	v4 =	vmul.u32 $0x18, v61  }
0x123: {  	v3 =	vand.u32 $0x7, v3  }
0x124: {  	v3 =	vor.u32 v3, v4  }
0x125: {  	v4 =	vperm.xlane v3, v0;
	_ =	sdelay $0x1  }
0x126: {  	v4 =	vadd.s32 v1, v4;
	_ =	sdelay $0x1  }
0x127: {  	v3 =	vperm.xlane v3, v2;
	_ =	sdelay $0x1  }
0x128: {  	v3 =	vadd.s32 v1, v3  }
0x129: {  	[tilespmem:s16], [sflag:$0x2] =	stream.indirect_vreg.gather [hbm4b:s2+s3], $0x80, v4, vm0, $0xb8;
	[tilespmem:$0x19C00] =	vst v63  }
0x12a: {  	_ = 	snop  }
0x12b: {  	[tilespmem:s17], [sflag:$0x2] =	stream.indirect_vreg.gather [hbm4b:s5+s3], $0x80, v4, vm1, $0xb8;
	[tilespmem:$0x19C00] =	vst v63  }
0x12c: {  	_ = 	snop  }
0x12d: {  	[tilespmem:s18], [sflag:$0x2] =	stream.indirect_vreg.gather [hbm4b:s2+s3], $0x80, v3, vm0, $0xb8;
	[tilespmem:$0x19C00] =	vst v63  }
0x12e: {  	_ = 	snop  }
0x12f: {  	[tilespmem:s19], [sflag:$0x2] =	stream.indirect_vreg.gather [hbm4b:s5+s3], $0x80, v3, vm1, $0xb8;
	[tilespmem:$0x19C00] =	vst v63  }
0x130: {  	v3 =	vld [tilespmem:s0+$0x60];
	_ =	sdelay $0x4  }
0x131: {  	v62 =	vshrl.u32 v3, $0x3  }
0x132: {  	v4 =	vmul.u32 $0x18, v62  }
0x133: {  	v3 =	vand.u32 $0x7, v3  }
0x134: {  	v3 =	vor.u32 v3, v4  }
0x135: {  	v4 =	vperm.xlane v3, v0;
	_ =	sdelay $0x1  }
0x136: {  	v4 =	vadd.s32 v1, v4;
	_ =	sdelay $0x1  }
0x137: {  	v3 =	vperm.xlane v3, v2;
	_ =	sdelay $0x1  }
0x138: {  	v3 =	vadd.s32 v1, v3  }
0x139: {  	[tilespmem:s20], [sflag:$0x2] =	stream.indirect_vreg.gather [hbm4b:s2+s3], $0x80, v4, vm0, $0xb8;
	[tilespmem:$0x19C00] =	vst v63  }
0x13a: {  	_ = 	snop  }
0x13b: {  	[tilespmem:s21], [sflag:$0x2] =	stream.indirect_vreg.gather [hbm4b:s5+s3], $0x80, v4, vm1, $0xb8;
	[tilespmem:$0x19C00] =	vst v63  }
0x13c: {  	_ = 	snop  }
0x13d: {  	[tilespmem:s22], [sflag:$0x2] =	stream.indirect_vreg.gather [hbm4b:s2+s3], $0x80, v3, vm0, $0xb8;
	[tilespmem:$0x19C00] =	vst v63  }
0x13e: {  	_ = 	snop  }
0x13f: {  	[tilespmem:s23], [sflag:$0x2] =	stream.indirect_vreg.gather [hbm4b:s5+s3], $0x80, v3, vm1, $0xb8;
	[tilespmem:$0x19C00] =	vst v63  }
0x140: {  	v3 =	vld [tilespmem:s0+$0x70];
	_ =	sdelay $0x4  }
0x141: {  	v63 =	vshrl.u32 v3, $0x3  }
0x142: {  	v4 =	vmul.u32 $0x18, v63  }
0x143: {  	v3 =	vand.u32 $0x7, v3  }
0x144: {  	v3 =	vor.u32 v3, v4  }
0x145: {  	v4 =	vperm.xlane v3, v0;
	_ =	sdelay $0x1  }
0x146: {  	v4 =	vadd.s32 v1, v4;
	_ =	sdelay $0x1  }
0x147: {  	v3 =	vperm.xlane v3, v2;
	_ =	sdelay $0x1  }
0x148: {  	v3 =	vadd.s32 v1, v3  }
0x149: {  	[tilespmem:s24], [sflag:$0x2] =	stream.indirect_vreg.gather [hbm4b:s2+s3], $0x80, v4, vm0, $0xb8;
	[tilespmem:$0x19C00] =	vst v63  }
0x14a: {  	_ = 	snop  }
0x14b: {  	[tilespmem:s25], [sflag:$0x2] =	stream.indirect_vreg.gather [hbm4b:s5+s3], $0x80, v4, vm1, $0xb8;
	[tilespmem:$0x19C00] =	vst v63  }
0x14c: {  	_ = 	snop  }
0x14d: {  	[tilespmem:s26], [sflag:$0x2] =	stream.indirect_vreg.gather [hbm4b:s2+s3], $0x80, v3, vm0, $0xb8;
	[tilespmem:$0x19C00] =	vst v63  }
0x14e: {  	_ = 	snop  }
0x14f: {  	[tilespmem:s28], [sflag:$0x2] =	stream.indirect_vreg.gather [hbm4b:s5+s3], $0x80, v3, vm1, $0xb8;
	[tilespmem:$0x19C00] =	vst v63  }
0x150: {  	_ =	swait.ge [sflag:s29], $0xC000  }
0x151: {  	s7 =	rddreg [dreg:$0x3]  }
0x152: {  	s6 =	sadd.s32 s4, s7;
	s4 =	sadd.s32 $0x3000, s4  }
0x153: {  	p0 =	sne.s32 s4, $0x54000  }
.Ltmp0:
0x154: {  	_ = 	snop;
	(pc) =	sbr.rel @p0 .LBB2_2-.Ltmp0, $4  }
0x155: {  	_ = 	snop  }
0x156: {  	[sflag:s29] =	ssyncset.done $0x0  }
0x157: {  	s0 =	sadd.s32 $0x100, s0;
	[sflag:s29] =	ssyncadd.s32 $0xFFFF4000  }
0x158: {  	[hbm4b:s6+s3] =	stream.linear.scatter [tilespmem:s10], [sflag:$0x4], $0xC000, $0x38;
	[tilespmem:$0x19C00] =	vst v63  }
0x159: {  	_ =	swait.ge [sflag:s30], $0xC000  }
0x15a: {  	[sflag:s30] =	ssyncset.done $0x0  }
0x15b: {  	[sflag:s30] =	ssyncadd.s32 $0xFFFF4000  }
0x15c: {  	_ =	swait.ge [sflag:s31], $0xC000  }
0x15d: {  	s0 =	sld [smem:$0x7F9];
	_ =	sdelay $0x1  }
0x15e: {  	s1 =	sadd.s32 $0x1, s1  }
0x15f: {  	p0 =	sne.s32 s1, s0  }
.Ltmp1:
0x160: {  	_ = 	snop;
	(pc) =	sbr.rel @p0 .LBB2_1-.Ltmp1, $3  }
0x161: {  	_ =	sdelay $0x1  }
0x162: {  	[sflag:s31] =	ssyncset.done $0x0  }
0x163: {  	[sflag:s31] =	ssyncadd.s32 $0xFFFF4000  }
0x164: {  	_ =	sfence.sel $0x180000  }
0x165: {  	[bflag:$0x0] =	sbarrier.arrive $0xFFFF  }
0x166: {  	_ =	strace $0x90000047  }
0x167: {  	s0 =	stileid.u32;
	[bflag:$0x2] =	sbarrier.arrive $0xFFFF  }
0x168: {  	p0 =	sne.s32 s0, $0x0;
	s0 =	rddreg [dreg:$0x2]  }
0x169: {  	s0 =	sadd.s32 @!p0 $0x100000, s0  }
0x16a: {  	[sflag:s0] =	ssyncadd.tile.s32 @!p0 $0x1;
	_ =	shalt  }
.Lfunc_end2:
_tile_overlayer_lowered:
.L_overlay_start_2:
0x16b: {  	(tag) =	ssettag $0x2  }
0x16c: {  	s0 =	rddreg [dreg:$0x0];
	s2 =	stileid.u32  }
0x16d: {  	s1 =	rddreg [dreg:$0x1];
	p0 =	sne.s32 s2, $0x0  }
0x16e: {  	s3 =	rddreg [dreg:$0x2];
	[bflag:$0x3] =	sbarrier.arrive $0xFFFF;
	s2 =	simm.s32 @!p0 $0x1C05  }
0x16f: {  	[timem:s3], [sflag:s2] =	dma.local @!p0 [hbm:s0], s1  }
0x170: {  	s0 =	simm.s32 @!p0 $0x5  }
0x171: {  	_ =	swait.ge @!p0 [sflag:s0], s1  }
0x172: {  	s1 =	ssub.s32 @!p0 $0x0, s1;
	[sflag:s0] =	ssyncset.done @!p0 $0x0  }
0x173: {  	[sflag:s0] =	ssyncadd.s32 @!p0 s1  }
0x174: {  	[bflag:$0x3] =	sbarrier.arrive $0xFFFF  }
0x175: {  	_ =	shalt  }

// kernel: sparse-core-data-format-call.cloned.1.call-start
scs
called_computation_lowered:
.L_overlay_start_0:
0x0: {  	s2 =	sld [smem:$0x3FD9]  }
0x1: {  	s3 =	sld [smem:$0x3FFE];
	_ =	sdelay $0x1  }
0x2: {  	s1 =	srdreg.scid  }
0x3: {  	s0 =	sand.u32 $0x1, s1  }
0x4: {  	s18 =	sshll.u32 s0, $0xA;
	s2 =	sadd.s32 s3, s2  }
0x5: {  	s2 =	sadd.s32 s2, s18  }
0x6: {  	[smem:$0x3FC6] =	sst s2  }
0x7: {  	_ = 	snop  }
0x8: {  	s2 =	sld [smem:$0x3FD0];
	(tm) =	ssettm $0x1  }
0x9: {  	s19 =	sld [smem:$0x3FFB];
	_ =	sdelay $0x3  }
0xa: {  	_ =	strace s19  }
0xb: {  	s3 =	sld [smem:$0x3FFC];
	_ =	sdelay $0x3  }
0xc: {  	_ =	strace s3  }
0xd: {  	s3 =	sld [smem:$0x3FFD];
	_ =	sdelay $0x3  }
0xe: {  	_ =	strace s3  }
0xf: {  	_ =	strace $0x8FFFFFFF  }
0x10: {  	s20 =	sld [smem:$0x3FDB];
	_ =	sdelay $0x1  }
0x11: {  	s4 =	simm.s32 $_scs_section_size  }
0x12: {  	s5 =	simm.s32 $_size__tile_overlayer_lowered;
	s6 =	simm.s32 $_tile_overlayer_lowered  }
0x13: {  	s23 =	simm.s32 $0x1BFF;
	s22 =	sshll.u32 s6, $0x1;
	s3 =	sadd.s32 s4, s20  }
0x14: {  	s7 =	simm.s32 $0x0;
	s21 =	sshll.u32 s5, $0x1;
	s5 =	sadd.s32 s22, s3  }
0x15: {  	[timem:s7], [sflag:s23] =	dma.local [hbm:s5], s21  }
0x16: {  	_ =	swait.ge [sflag:s23], s21  }
0x17: {  	s4 =	ssub.s32 $0x0, s21;
	[sflag:s23] =	ssyncset.done $0x0  }
0x18: {  	[sflag:s23] =	ssyncadd.s32 s4;
	_ =	sdelay $0x1  }
0x19: {  	s24 =	simm.s32 $0x1B8B  }
0x1a: {  	_ =	swait.ge [sflag:s24], $0x1  }
0x1b: {  	[sflag:s24] =	ssyncset.done $0x0  }
0x1c: {  	s26 =	simm.s32 $0x1B8E;
	s25 =	sld [smem:$0x3FFE];
	[sflag:s24] =	ssyncadd.s32 $0xFFFFFFFF  }
0x1d: {  	s27 =	simm.s32 $execute0_lowered;
	[smem:$0x3FD2] =	sst s26  }
0x1e: {  	s5 =	sshll.u32 s27, $0x1;
	_ =	strace $0x80000049;
	[dreg:$0x1] =	wrdreg $0xFFFFFFFF  }
0x1f: {  	s28 =	simm.s32 $_size_execute0_lowered;
	s3 =	sadd.s32 s3, s5;
	[dreg:$0x0] =	wrdreg $0x0  }
0x20: {  	s5 =	sshll.u32 s28, $0x1;
	[dreg:$0x2] =	wrdreg s3  }
0x21: {  	[dreg:$0x3] =	wrdreg s5  }
0x22: {  	[dreg:$0x4] =	wrdreg $0xC0  }
0x23: {  	_ =	task [dreg:s7], $0x5FFFF  }
0x24: {  	[dreg:$0x1] =	wrdreg $0xFFFFFFFF  }
0x25: {  	[dreg:$0x0] =	wrdreg $0x60  }
0x26: {  	[dreg:$0x2] =	wrdreg s25  }
0x27: {  	[dreg:$0x3] =	wrdreg s2  }
0x28: {  	[dreg:$0x4] =	wrdreg $0x9  }
0x29: {  	_ =	task.clear_ibuf [dreg:s7], $0x5FFFF;
	_ =	strace $0x90000049  }
0x2a: {  	s29 =	simm.s32 $0x9;
	_ =	strace $0x8000004B  }
0x2b: {  	_ =	swait.ge [sflag:s29], $0x1  }
0x2c: {  	[sflag:s29] =	ssyncadd.s32 $0xFFFFFFFF  }
0x2d: {  	_ =	strace $0x9000004B  }
0x2e: {  	_ =	sfence  }
0x2f: {  	s30 =	sld [smem:$0x0];
	_ =	sdelay $0x2  }
0x30: {  	s31 =	sshll.u32 s1, $0xD;
	s1 =	sshrl.u32 s1, $0x2  }
0x31: {  	s3 =	sand.u32 $0x4000, s31;
	s1 =	sadd.s32 s1, s30  }
0x32: {  	s0 =	sor.u32 s3, s0;
	s1 =	sshll.u32 s1, $0x11  }
0x33: {  	s0 =	sor.u32 s1, s0  }
0x34: {  	s0 =	sadd.s32 $0x8F2B, s0  }
0x35: {  	[sflag:s0] =	ssyncadd.remote.s32 $0x1  }
0x36: {  	_ =	sfence.sel $0xFFFF  }
0x37: {  	[dreg:$0x0] =	wrdreg $0xFFFFFFFF;
	(pc) =	sbr.abs _section_cstart, $3  }
0x38: {  	[dreg:$0x1] =	wrdreg $0xFFFFFFFF  }
0x39: {  	_ =	task.clear_ibuf [dreg:s7], $0x2FFFF;
	_ =	strace $0x9FFFFFFF  }
0x3a: {  	(tm) =	ssettm $0x7FFFFFFF  }
0x3b: {  	_ =	shalt  }
tec
execute0_lowered:
.L_overlay_start_1:
0x0: {  	(tag) =	ssettag $0x1  }
0x1: {  	s0 =	srdreg.scid;
	s6 =	rddreg [dreg:$0x0]  }
0x2: {  	s3 =	rddreg [dreg:$0x1];
	s1 =	sshll.u32 s0, $0x4  }
0x3: {  	s5 =	simm.s32 $0x1;
	s0 =	stileid.u32;
	s1 =	sand.u32 $0x10, s1  }
0x4: {  	s31 =	simm.s32 $0x2;
	s16 =	simm.s32 $0x0;
	s1 =	sor.u32 s0, s1  }
0x5: {  	s8 =	simm.s32 $0x8000;
	s18 =	simm.s32 $0x0;
	s2 =	sshll.u32 s1, $0x7  }
0x6: {  	s17 =	simm.s32 $0x0;
	s9 =	simm.s32 $0x0;
	s4 =	ssub.s32 $0x1000, s2  }
0x7: {  	s10 =	simm.s32 $0x0;
	s11 =	simm.s32 $0x0;
	s30 =	sand.u32 $0xF80, s4  }
0x8: {  	s12 =	simm.s32 $0x0;
	s13 =	simm.s32 $0x0;
	p0 =	sne.s32 s30, $0x0  }
.Ltmp0:
0x9: {  	s7 =	sshrl.u32 s4, $0xC;
	s5 =	simm.s32 @!p0 $0x0;
	(pc) =	sbr.rel .LBB1_1-.Ltmp0, $4  }
0xa: {  	s15 =	simm.s32 $0x0;
	s1 =	rddreg [dreg:$0x2];
	s5 =	sadd.s32 s5, s7  }
0xb: {  	_ =	strace $0x8000004A;
	s4 =	simm.s32 $0x1;
	s5 =	smul.u32 $0x96, s5  }
0xc: {  	s6 =	sadd.s32 $0x7800, s6;
	s14 =	smov.u32 s2;
	[sflag:s4] =	ssyncpa.u1 $0x0  }
0xd: {  	[sflag:s31] =	ssyncpa.u1 $0x0;
	p0 =	por $0x0, $0x0;
	s7 =	sor.u32 $0x1, s5  }
.LBB1_4:
0xe: {  	s23 =	sshra.s32 s23, $0x2;
	s30 =	sshll.u32 s9, $0xC  }
0xf: {  	p1 =	sgt.s32 s10, $0x31;
	s24 =	smov.u32 s10;
	s25 =	sshra.s32 s10, $0x1F  }
0x10: {  	s26 =	sshll.u32 s11, $0x3;
	s28 =	smov.u32 s11;
	s29 =	sshra.s32 s11, $0x1F  }
0x11: {  	s22 =	sadd.s32 s23, s22;
	s24 =	simm.s32 @!p1 $0x31;
	s25 =	sand.u32 s25, s10  }
0x12: {  	s23 =	sand.u32 $0xFFFF8000, s30;
	s27 =	sand.u32 $0xFFFFFC00, s26;
	p1 =	sgt.s32 s9, $0xB0  }
0x13: {  	s31 =	sand.u32 s29, s11;
	s29 =	sshll.u32 s9, $0x7;
	s30 =	sshra.s32 s9, $0x1F  }
0x14: {  	[tilespmem:s21+$0x2040 ss:$0x81] =	vst.msk $0xffff, v4;
	s24 =	ssub.s32 s24, s25;
	s23 =	sadd.s32 s27, s23;
	s27 =	smov.u32 s9  }
0x15: {  	[tilespmem:s21+$0x2850 ss:$0x81] =	vst.msk $0xffff, v3;
	s29 =	sand.u32 $0x380, s29;
	s25 =	sadd.s32 $0xFFFFFFCF, s24;
	s27 =	simm.s32 @!p1 $0xB0  }
0x16: {  	v5 =	vld [tilespmem:s20+$0xFFFFFFD0];
	[tilespmem:s21+$0x3060 ss:$0x81] =	vst.msk $0xffff, v2;
	p1 =	sgt.s32 s11, $0xF80;
	s23 =	sshrl.u32 s23, $0xC;
	s24 =	ssub.s32 $0x32, s24  }
0x17: {  	v58 =	vld [tilespmem:s20+$0xFFFFFFE0];
	[tilespmem:s21+$0x0 ss:$0x81] =	vst.msk $0xffff, v1;
	s28 =	simm.s32 @!p1 $0xF80;
	p1 =	sgt.s32 s25, $0x0;
	s21 =	smulhi.u32 $0xD79436, s23  }
0x18: {  	v59 =	vld [tilespmem:s20+$0xFFFFFFF0];
	s25 =	ssub.s32 s28, s31;
	s28 =	sand.u32 s30, s9;
	s24 =	simm.s32 @p1 $0x0  }
0x19: {  	v60 =	vld [tilespmem:s20+$0x0];
	s27 =	ssub.s32 s27, s28;
	s31 =	sadd.s32 $0xFFFFF080, s25;
	s25 =	ssub.s32 $0x1000, s25  }
0x1a: {  	v61 =	vld [tilespmem:s20+$0x10];
	[tilespmem:s22+$0x3870 ss:$0x81] =	vst.msk $0xffff, v0;
	s21 =	smul.u32 $0x130, s21;
	s28 =	sand.u32 $0x7, s11;
	p1 =	sgt.s32 s31, $0x7F  }
0x1b: {  	v62 =	vld [tilespmem:s20+$0x20];
	[tilespmem:s22+$0x810 ss:$0x81] =	vst.msk $0xffff, v5;
	s30 =	sadd.s32 $0xFFFFFF50, s27;
	s31 =	sand.u32 $0x78, s11;
	s25 =	simm.s32 @p1 $0x0  }
0x1c: {  	v63 =	vld [tilespmem:s20+$0xFFFFFFC0];
	[tilespmem:s22+$0x1020 ss:$0x81] =	vst.msk $0xffff, v58;
	p1 =	sgt.s32 s30, $0x7F;
	s30 =	sand.u32 $0xC00, s26;
	s24 =	smul.u32 s25, s24  }
0x1d: {  	[tilespmem:s22+$0x1830 ss:$0x81] =	vst.msk $0xffff, v59;
	s26 =	ssub.s32 $0x130, s27;
	s20 =	sor.u32 s31, s30;
	s31 =	smul.u32 $0x26000, s10  }
0x1e: {  	[tilespmem:s22+$0x2040 ss:$0x81] =	vst.msk $0xffff, v60;
	s21 =	ssub.s32 s23, s21;
	s26 =	simm.s32 @p1 $0x0;
	s20 =	sor.u32 s29, s20  }
0x1f: {  	[tilespmem:s22+$0x2850 ss:$0x81] =	vst.msk $0xffff, v61;
	s26 =	smul.u32 s26, s24;
	s20 =	sshrl.u32 s20, $0x3;
	s27 =	sadd.s32 s3, s31  }
0x20: {  	[tilespmem:s22+$0x3060 ss:$0x81] =	vst.msk $0xffff, v62;
	s21 =	sshll.u32 s21, $0x9;
	s29 =	sshll.u32 s28, $0x12;
	s20 =	sadd.s32 s20, s27  }
0x21: {  	[tilespmem:s22+$0x0 ss:$0x81] =	vst.msk $0xffff, v63;
	s31 =	sor.u32 $0x400, s29;
	s30 =	sand.u32 $0x3FFFFFFF, s26;
	s20 =	sadd.s32 s21, s20  }
0x22: {  	[hbm4b:s20+s31] =	stream.strided.scatter [tilespmem:s19], [sflag:$0x2], s30, s8, s31, $0x20;
	[tilespmem:$0x10100] =	vst v63  }
.LBB1_5:
0x23: {  	p1 =	slt.u32 s15, $0x2  }
0x24: {  	p2 =	sgt.s32 @!p1 s18, $0x31  }
0x25: {  	s19 =	smov.u32 s18;
	s20 =	sshra.s32 @!p1 s18, $0x1F;
	p2 =	por !p2, p1  }
0x26: {  	s18 =	sand.u32 @!p1 s20, s18;
	s19 =	simm.s32 @p2 $0x31  }
0x27: {  	p3 =	sgt.s32 @!p1 s16, $0xB0;
	s18 =	ssub.s32 @!p1 s19, s18  }
0x28: {  	p4 =	sgt.s32 @!p1 s17, $0xF80;
	s21 =	sshra.s32 @!p1 s17, $0x1F;
	s19 =	sadd.s32 @!p1 $0xFFFFFFCF, s18  }
0x29: {  	s20 =	smov.u32 s16;
	p2 =	sgt.s32 @!p1 s19, $0x0;
	s19 =	sshra.s32 @!p1 s16, $0x1F  }
0x2a: {  	p4 =	por !p4, p1;
	s16 =	sand.u32 @!p1 s19, s16;
	s19 =	smov.u32 s17  }
0x2b: {  	p3 =	por !p3, p1;
	s17 =	sand.u32 @!p1 s21, s17;
	s19 =	simm.s32 @p4 $0xF80  }
0x2c: {  	s20 =	simm.s32 @p3 $0xB0;
	s18 =	ssub.s32 @!p1 $0x32, s18;
	s17 =	ssub.s32 @!p1 s19, s17  }
0x2d: {  	p2 =	por !p2, p1;
	s16 =	ssub.s32 @!p1 s20, s16;
	s20 =	sadd.s32 @!p1 $0xFFFFF080, s17  }
0x2e: {  	s18 =	simm.s32 @!p2 $0x0;
	p3 =	sgt.s32 @!p1 s20, $0x7F  }
0x2f: {  	s19 =	sadd.s32 @!p1 $0xFFFFFF50, s16;
	s17 =	ssub.s32 @!p1 $0x1000, s17;
	p3 =	por !p3, p1  }
0x30: {  	p2 =	sgt.s32 @!p1 s19, $0x7F;
	s19 =	sadd.s32 $0x80, s12;
	s17 =	simm.s32 @!p3 $0x0  }
0x31: {  	p3 =	sgt.s32 s19, $0x12B;
	s17 =	smul.u32 @!p1 s17, s18;
	s18 =	simm.s32 $0x1  }
0x32: {  	s16 =	ssub.s32 @!p1 $0x130, s16;
	p2 =	por !p2, p1;
	s18 =	simm.s32 @!p3 $0x0  }
0x33: {  	s21 =	smov.u32 s14;
	s16 =	simm.s32 @!p2 $0x0;
	s20 =	sadd.s32 s18, s13  }
0x34: {  	s16 =	smul.u32 @!p1 s16, s17;
	s17 =	sadd.s32 $0x1000, s14;
	p2 =	sgt.s32 s20, $0x31  }
0x35: {  	p0 =	por !p0, !p0;
	s22 =	simm.s32 @!p1 $0x2;
	s21 =	smov.u32 @p2 s17  }
0x36: {  	s19 =	simm.s32 @p3 $0x0;
	s20 =	simm.s32 @p2 $0x0;
	p2 =	sgt.s32 s21, $0xFFF  }
0x37: {  	s18 =	smov.u32 s10;
	s21 =	smov.u32 @p2 s2;
	p2 =	sne.s32 s15, s7  }
.Ltmp1:
0x38: {  	s10 =	smov.u32 s13;
	s16 =	sand.u32 @!p1 $0x3FFFFFFF, s16;
	(pc) =	sbr.rel @!p2 .LBB1_6-.Ltmp1, $4  }
0x39: {  	s17 =	smov.u32 s11;
	s11 =	smov.u32 s14;
	_ =	swait.ge @!p1 [sflag:s22], s16  }
0x3a: {  	s23 =	ssub.s32 @!p1 $0x0, s16;
	s16 =	smov.u32 s9;
	s9 =	smov.u32 s12  }
0x3b: {  	s12 =	smov.u32 s19;
	s13 =	smov.u32 s20;
	[sflag:s22] =	ssyncset.done @!p1 $0x0  }
0x3c: {  	s15 =	sadd.s32 $0x1, s15;
	[sflag:s22] =	ssyncadd.s32 @!p1 s23;
	s14 =	smov.u32 s21  }
.LBB1_1:
0x3d: {  	p1 =	sge.u32 s15, s5  }
0x3e: {  	s19 =	sshrl.u32 @!p1 s13, $0x3  }
0x3f: {  	s20 =	sshll.u32 @!p1 s12, $0x3;
	s19 =	smul.u32 @!p1 $0xC00, s19  }
0x40: {  	s21 =	sshll.u32 @!p1 s13, $0x7;
	s20 =	sand.u32 @!p1 $0xFFFFFC00, s20  }
0x41: {  	s19 =	sadd.s32 @!p1 s19, s20;
	s20 =	sand.u32 @!p1 $0x380, s21  }
0x42: {  	s19 =	sor.u32 @!p1 s20, s19  }
0x43: {  	s20 =	sand.u32 @!p1 $0x7F, s12;
	s21 =	smulhi.u32 @!p1 $0xAAAAAAAB, s19  }
0x44: {  	s19 =	sor.u32 @!p1 s20, s19  }
0x45: {  	s20 =	smulhi.u32 @!p1 $0xAAAAAAAB, s19;
	s21 =	sshrl.u32 @!p1 s21, $0x8  }
0x46: {  	s22 =	smulhi.u32 @!p1 $0x4924925, s21;
	_ =	sdelay $0x1  }
0x47: {  	s20 =	sshrl.u32 @!p1 s20, $0x8;
	s22 =	smul.u32 @!p1 $0x38, s22  }
0x48: {  	s31 =	sadd.s32 $0xFFFFFFFF, s15;
	s20 =	smul.u32 @!p1 $0x180, s20  }
0x49: {  	s23 =	sxor.u32 @!p1 $0xFFFFFFFF, s15;
	s21 =	ssub.s32 @!p1 s21, s22;
	s22 =	smul.u32 @!p1 $0xA80, s14  }
0x4a: {  	s23 =	sshll.u32 @!p1 s23, $0xE;
	s19 =	ssub.s32 @!p1 s19, s20;
	s20 =	smul.u32 @!p1 $0x30, s21  }
0x4b: {  	s21 =	sand.u32 @!p1 $0x4000, s23;
	s23 =	sand.u32 @!p1 $0x7, s19;
	s22 =	sadd.s32 @!p1 s6, s22  }
0x4c: {  	s19 =	sshrl.u32 @!p1 s19, $0x3;
	s20 =	sadd.s32 @!p1 s20, s22;
	s22 =	sshll.u32 @!p1 s23, $0x12  }
0x4d: {  	s19 =	sadd.s32 @!p1 s19, s20;
	s20 =	sor.u32 @!p1 $0x80, s22;
	s22 =	simm.s32 @!p1 $0x5400  }
0x4e: {  	[tilespmem:s21], [sflag:$0x1] =	stream.strided.gather @!p1 [hbm4b:s19+s20], $0x4000, s22, s20, $0x38;
	[tilespmem:$0x10100] =	vst v63  }
0x4f: {  	p1 =	sge.u32 s31, s5  }
.Ltmp2:
0x50: {  	_ = 	snop;
	(pc) =	sbr.rel @p1 .LBB1_5-.Ltmp2, $1  }
0x51: {  	_ =	sdelay $0x3  }
0x52: {  	s19 =	simm.s32 $0x1  }
0x53: {  	_ =	swait.ge [sflag:s4], $0x4000;
	s19 =	simm.s32 @!p0 $0x0  }
0x54: {  	[sflag:s4] =	ssyncset.done $0x0;
	s20 =	sshll.u32 s19, $0xE  }
0x55: {  	[sflag:s4] =	ssyncadd.s32 $0xFFFFC000;
	s20 =	sor.u32 $0x40, s20  }
0x56: {  	s19 =	smul.u32 $0x10200, s19;
	v0 =	vld [tilespmem:s20+$0x30]  }
0x57: {  	v1 =	vld [tilespmem:s20+$0xFFFFFFD0]  }
0x58: {  	s19 =	sshrl.u32 s19, $0x2;
	v5 =	vld [tilespmem:s20+$0xFFFFFFE0]  }
0x59: {  	v6 =	vld [tilespmem:s20+$0xFFFFFFF0];
	s22 =	sor.u32 $0x8000, s19  }
0x5a: {  	s31 =	sand.u32 $0x1, s15;
	v4 =	vld [tilespmem:s20+$0x0];
	s21 =	sadd.s32 $0x0, s22  }
0x5b: {  	v3 =	vld [tilespmem:s20+$0x10];
	s19 =	smul.u32 $0x10200, s31;
	[tilespmem:s21+$0x3870 ss:$0x81] =	vst.msk $0xffff, v0  }
0x5c: {  	v2 =	vld [tilespmem:s20+$0x20];
	[tilespmem:s21+$0x810 ss:$0x81] =	vst.msk $0xffff, v1  }
0x5d: {  	s19 =	sshrl.u32 s19, $0x2;
	v1 =	vld [tilespmem:s20+$0xFFFFFFC0];
	[tilespmem:s21+$0x1020 ss:$0x81] =	vst.msk $0xffff, v5;
	s20 =	sadd.s32 $0x80, s20  }
0x5e: {  	s23 =	simm.s32 $0x4;
	s24 =	simm.s32 $0x8;
	s19 =	sor.u32 $0x8000, s19;
	[tilespmem:s21+$0x1830 ss:$0x81] =	vst.msk $0xffff, v6;
	v0 =	vld [tilespmem:s20+$0x30]  }
.LBB1_3:
0x5f: {  	p1 =	sne.s32 s24, $0x1FC;
	v5 =	vld [tilespmem:s20+$0xFFFFFFD0];
	[tilespmem:s21+$0x2040 ss:$0x81] =	vst.msk $0xffff, v4  }
0x60: {  	v6 =	vld [tilespmem:s20+$0xFFFFFFE0];
	[tilespmem:s21+$0x2850 ss:$0x81] =	vst.msk $0xffff, v3  }
0x61: {  	s25 =	sshra.s32 s23, $0x2;
	s23 =	smov.u32 s24;
	v7 =	vld [tilespmem:s20+$0xFFFFFFF0];
	[tilespmem:s21+$0x3060 ss:$0x81] =	vst.msk $0xffff, v2  }
.Ltmp3:
0x62: {  	v4 =	vld [tilespmem:s20+$0x0];
	[tilespmem:s21+$0x0 ss:$0x81] =	vst.msk $0xffff, v1;
	s21 =	sadd.s32 s25, s22;
	(pc) =	sbr.rel @p1 .LBB1_3-.Ltmp3, $4  }
0x63: {  	v3 =	vld [tilespmem:s20+$0x10];
	[tilespmem:s21+$0x3870 ss:$0x81] =	vst.msk $0xffff, v0  }
0x64: {  	[tilespmem:s21+$0x810 ss:$0x81] =	vst.msk $0xffff, v5;
	v2 =	vld [tilespmem:s20+$0x20]  }
0x65: {  	v1 =	vld [tilespmem:s20+$0xFFFFFFC0];
	[tilespmem:s21+$0x1020 ss:$0x81] =	vst.msk $0xffff, v6;
	s20 =	sadd.s32 $0x80, s20  }
0x66: {  	s24 =	sadd.s32 $0x4, s24;
	v0 =	vld [tilespmem:s20+$0x30];
	[tilespmem:s21+$0x1830 ss:$0x81] =	vst.msk $0xffff, v7  }
.Ltmp4:
0x67: {  	_ = 	snop;
	(pc) =	sbr.rel .LBB1_4-.Ltmp4, $1  }
0x68: {  	_ =	sdelay $0x3  }
.LBB1_6:
0x69: {  	_ =	sfence.sel $0x180000  }
0x6a: {  	s2 =	simm.s32 $0x1;
	[bflag:$0x0] =	sbarrier.arrive $0xFFFF  }
0x6b: {  	s31 =	simm.s32 $0x2;
	[sflag:s2] =	ssyncpa.u1 $0x1  }
0x6c: {  	[sflag:s31] =	ssyncpa.u1 $0x1  }
0x6d: {  	p0 =	sne.s32 s0, $0x0;
	_ =	strace $0x9000004A  }
0x6e: {  	s0 =	sadd.s32 @!p0 $0x100000, s1;
	[bflag:$0x2] =	sbarrier.arrive $0xFFFF  }
0x6f: {  	[sflag:s0] =	ssyncadd.tile.s32 @!p0 $0x1;
	_ =	shalt  }
.Lfunc_end1:
_tile_overlayer_lowered:
.L_overlay_start_2:
0x70: {  	(tag) =	ssettag $0x2  }
0x71: {  	s0 =	rddreg [dreg:$0x0];
	s2 =	stileid.u32  }
0x72: {  	s1 =	rddreg [dreg:$0x1];
	p0 =	sne.s32 s2, $0x0  }
0x73: {  	s3 =	rddreg [dreg:$0x2];
	[bflag:$0x3] =	sbarrier.arrive $0xFFFF;
	s2 =	simm.s32 @!p0 $0x1C01  }
0x74: {  	[timem:s3], [sflag:s2] =	dma.local @!p0 [hbm:s0], s1  }
0x75: {  	s0 =	simm.s32 @!p0 $0x1  }
0x76: {  	_ =	swait.ge @!p0 [sflag:s0], s1  }
0x77: {  	s1 =	ssub.s32 @!p0 $0x0, s1;
	[sflag:s0] =	ssyncset.done @!p0 $0x0  }
0x78: {  	[sflag:s0] =	ssyncadd.s32 @!p0 s1  }
0x79: {  	[bflag:$0x3] =	sbarrier.arrive $0xFFFF  }
0x7a: {  	_ =	shalt  }

</sc_bundles>
